<compile_context>
chip_gen: v7x
topology: tpu7x:2x2x1
jax: 0.10.2.dev20260603
libtpu: 0.0.44.dev20260713+nightly
codegen_flags: <defaults>
</compile_context>

<pallas_src>
import functools

import jax
import jax.numpy as jnp
from jax import lax
from jax.experimental import pallas as pl
from jax.experimental.pallas import tpu as pltpu
from jax.experimental.pallas import tpu_sc as plsc

N_CODES = 8192
DIM = 32
N_VECS = 8192
ROW_BLK = 1024
CODE_BLK = 2048
N_ROW_BLKS = N_VECS // ROW_BLK
N_CODE_BLKS = N_CODES // CODE_BLK

NC, NS = 2, 16
NW = NC * NS
PER_W = N_VECS // NW
CHUNK = 128
CPW = PER_W // CHUNK
BINS_PER_TILE = N_CODES // NS


def _argmin_body(z_ref, ew_ref, zsq_ref, ewsq_ref, idx_ref):
    z = z_ref[...]
    zb = z.astype(jnp.bfloat16)
    zb2 = zb + zb
    zsq = zsq_ref[...]
    ewsq_all = ewsq_ref[...]
    best = None
    best_idx = None
    iota = lax.broadcasted_iota(
        jnp.int32, (ROW_BLK, CODE_BLK), 1).astype(jnp.float32)
    big = jnp.float32(1e9)
    for c in range(N_CODE_BLKS):
        ew = ew_ref[pl.ds(c * CODE_BLK, CODE_BLK), :]
        ewsq = ewsq_all[0, c * CODE_BLK:(c + 1) * CODE_BLK]
        mm2 = lax.dot_general(zb2, ew, (((1,), (1,)), ((), ())),
                              preferred_element_type=jnp.float32)
        d = (zsq - mm2) + ewsq[None, :]
        v, ix = d, iota
        while v.shape[1] > 128:
            h = v.shape[1] // 2
            keep = v[:, :h] <= v[:, h:]
            v = jnp.where(keep, v[:, :h], v[:, h:])
            ix = jnp.where(keep, ix[:, :h], ix[:, h:])
        dmin = jnp.min(v, axis=1)
        darg_f = jnp.min(jnp.where(v == dmin[:, None], ix, big), axis=1)
        darg = darg_f.astype(jnp.int32) + jnp.int32(c * CODE_BLK)
        dmin_bf = dmin.astype(jnp.bfloat16).astype(jnp.float32)
        if best is None:
            best, best_idx = dmin_bf, darg
        else:
            upd = dmin < best
            best = jnp.where(upd, dmin_bf, best)
            best_idx = jnp.where(upd, darg, best_idx)
    idx_ref[...] = best_idx.reshape(1, 1, ROW_BLK)


def _argmin_call(z_flat, ew, zsq, ewsq):
    return pl.pallas_call(
        _argmin_body,
        grid=(N_ROW_BLKS,),
        in_specs=[
            pl.BlockSpec((ROW_BLK, DIM), lambda i: (i, 0)),
            pl.BlockSpec((N_CODES, DIM), lambda i: (0, 0)),
            pl.BlockSpec((ROW_BLK, 1), lambda i: (i, 0)),
            pl.BlockSpec((1, N_CODES), lambda i: (0, 0)),
        ],
        out_specs=pl.BlockSpec((1, 1, ROW_BLK), lambda i: (i, 0, 0)),
        out_shape=jax.ShapeDtypeStruct((N_ROW_BLKS, 1, ROW_BLK), jnp.int32),
        compiler_params=pltpu.CompilerParams(
            vmem_limit_bytes=100 * 1024 * 1024),
    )(z_flat, ew, zsq, ewsq)


def _sc_body(emb_hbm, idx_hbm, zq_hbm, cnt_hbm,
             idx_va, idx_vb, rows_va, rows_vb, ones_v, zeros_v, cnt_sh, sem):
    cid = lax.axis_index("c")
    sid = lax.axis_index("s")
    wid = sid * NC + cid

    pltpu.sync_copy(idx_hbm.at[CPW * wid], idx_va)
    pltpu.sync_copy(idx_hbm.at[CPW * wid + 1], idx_vb)

    cp_a = pltpu.async_copy(emb_hbm.at[idx_va], rows_va, sem)
    cp_b = pltpu.async_copy(emb_hbm.at[idx_vb], rows_vb, sem)

    for i in range(CHUNK // 16):
        ones_v[pl.ds(i * 16, 16)] = jnp.full((16,), 1.0, jnp.float32)
    for i in range(BINS_PER_TILE // 16):
        zeros_v[pl.ds(i * 16, 16)] = jnp.zeros((16,), jnp.float32)
    pltpu.sync_copy(zeros_v, cnt_sh.at[pl.ds(sid * BINS_PER_TILE, BINS_PER_TILE)])
    plsc.subcore_barrier()

    pltpu.sync_copy(ones_v, cnt_sh.at[idx_va], add=True)
    pltpu.sync_copy(ones_v, cnt_sh.at[idx_vb], add=True)
    plsc.subcore_barrier()

    pltpu.sync_copy(cnt_sh.at[pl.ds(sid * BINS_PER_TILE, BINS_PER_TILE)],
                    cnt_hbm.at[cid, sid])

    cp_a.wait()
    cp_b.wait()
    pltpu.sync_copy(rows_va, zq_hbm.at[CPW * wid])
    pltpu.sync_copy(rows_vb, zq_hbm.at[CPW * wid + 1])


@functools.partial(jax.jit, static_argnums=())
def _sc_call(ew, idx2d):
    mesh = plsc.VectorSubcoreMesh(core_axis_name="c", subcore_axis_name="s")
    fn = pl.kernel(
        _sc_body,
        out_type=[
            jax.ShapeDtypeStruct((N_VECS // CHUNK, CHUNK, DIM), jnp.float32),
            jax.ShapeDtypeStruct((NC, NS, BINS_PER_TILE), jnp.float32),
        ],
        mesh=mesh,
        scratch_types=[
            pltpu.VMEM((CHUNK,), jnp.int32),
            pltpu.VMEM((CHUNK,), jnp.int32),
            pltpu.VMEM((CHUNK, DIM), jnp.float32),
            pltpu.VMEM((CHUNK, DIM), jnp.float32),
            pltpu.VMEM((CHUNK,), jnp.float32),
            pltpu.VMEM((BINS_PER_TILE,), jnp.float32),
            pltpu.VMEM_SHARED((N_CODES,), jnp.float32),
            pltpu.SemaphoreType.DMA,
        ],
        compiler_params=pltpu.CompilerParams(use_tc_tiling_on_sc=False),
    )
    return fn(ew, idx2d)


def _final_body(z_ref, zq_ref, cnt_ref, zqst_ref, loss_ref, perp_ref):
    z = z_ref[...]
    zq = zq_ref[...]
    st = z + (zq - z)
    zqst_ref[...] = jnp.transpose(st.reshape(8, 1024, DIM), (0, 2, 1))
    diff = z - zq
    m = jnp.sum(diff * diff) * (1.0 / (N_VECS * DIM))
    loss_ref[...] = (0.25 * m + m).reshape(1, 1)
    cr = cnt_ref[...]
    cnt = cr[0] + cr[1]
    avg = cnt * (1.0 / N_VECS)
    ent = -jnp.sum(avg * jnp.log(jnp.maximum(avg, 1e-10)))
    perp_ref[...] = jnp.exp(ent).reshape(1, 1)


def _final_call(z_flat, zq, counts2):
    return pl.pallas_call(
        _final_body,
        out_shape=(
            jax.ShapeDtypeStruct((8, DIM, 1024), jnp.float32),
            jax.ShapeDtypeStruct((1, 1), jnp.float32),
            jax.ShapeDtypeStruct((1, 1), jnp.float32),
        ),
    )(z_flat, zq, counts2)


def kernel(z_e, emb_w):
    b, c, h, w = z_e.shape
    z32 = z_e.astype(jnp.float32)
    z_flat = jnp.transpose(z32, (0, 2, 3, 1)).reshape(-1, c)
    ew = emb_w.astype(jnp.float32)

    zsq = jnp.sum(z_flat ** 2, axis=1, keepdims=True)
    ewsq = jnp.sum(ew ** 2, axis=1).reshape(1, N_CODES)
    idx = _argmin_call(z_flat, ew, zsq, ewsq).reshape(-1)
    zq3, cnt3 = _sc_call(ew, idx.reshape(N_VECS // CHUNK, CHUNK))
    zq = zq3.reshape(N_VECS, DIM)
    counts2 = cnt3.reshape(NC, N_CODES)

    zqst, loss11, perp11 = _final_call(z_flat, zq, counts2)
    z_q_st = zqst.reshape(b, c, h, w)
    return (z_q_st, loss11.reshape(()), perp11.reshape(()),
            idx.reshape(b, h, w))

# --- scband reference (transcript-rebuilt; emitter-appended) ---
"""Pipeline reference for scband-vector-quantizer-71365176590879 (READ-ONLY COPY).

The authoritative reference and input builder live on the scoring server;
editing this copy changes nothing except your own understanding.
"""

import jax, jax.numpy as jnp
import numpy as np

NUM_EMBEDDINGS = 8192
EMBEDDING_DIM = 32
COMMITMENT_COST = 0.25


def setup_inputs(seed: int = 0) -> dict:
    key = jax.random.key(seed)
    k1, k2 = jax.random.split(key)
    z_e = jax.random.normal(k1, (8, 32, 32, 32), dtype=jnp.float32)
    emb_w = jax.random.uniform(k2, (NUM_EMBEDDINGS, EMBEDDING_DIM), dtype=jnp.float32,
                               minval=-1.0 / NUM_EMBEDDINGS, maxval=1.0 / NUM_EMBEDDINGS)
    return {"z_e": z_e, "emb_w": emb_w}


def reference(z_e, emb_w):
    b, c, h, w = z_e.shape
    z32 = z_e.astype(jnp.float32)
    z_flat = jnp.transpose(z32, (0, 2, 3, 1)).reshape(-1, c)
    ew = emb_w.astype(jnp.float32)
    distances = (jnp.sum(z_flat ** 2, axis=1, keepdims=True)
                 - 2.0 * (z_flat @ ew.T)
                 + jnp.sum(ew ** 2, axis=1))
    encoding_indices = jnp.argmin(distances, axis=1)
    z_q = jnp.take(ew, encoding_indices, axis=0).reshape(b, h, w, c).transpose((0, 3, 1, 2))
    commitment = COMMITMENT_COST * jnp.mean((jax.lax.stop_gradient(z32) - z_q) ** 2)
    codebook = jnp.mean((z32 - jax.lax.stop_gradient(z_q)) ** 2)
    vq_loss = commitment + codebook
    z_q_st = z32 + jax.lax.stop_gradient(z_q - z32)
    counts = jnp.bincount(encoding_indices, length=NUM_EMBEDDINGS).astype(jnp.float32)
    avg_probs = counts / encoding_indices.shape[0]
    perplexity = jnp.exp(-jnp.sum(avg_probs * jnp.log(jnp.maximum(avg_probs, 1e-10))))
    indices = encoding_indices.reshape(b, h, w)
    return (z_q_st, vq_loss, perplexity, indices)

if __name__ == "__main__":
    import jax
    _d = setup_inputs()
    print(jax.jit(kernel)(*tuple(_d.values())))

</pallas_src>

<mosaic_0001>
#map = affine_map<(d0, d1) -> (0, 0)>
#map1 = affine_map<(d0, d1) -> (0, 0, 0)>
module attributes {stable_mosaic.version = 14 : i64} {
  func.func @_sc_body(%arg0: i32, %arg1: i32, %arg2: memref<8192x32xf32, #tpu.memory_space<hbm>>, %arg3: memref<64x128xi32, #tpu.memory_space<hbm>>, %arg4: memref<64x128x32xf32, #tpu.memory_space<hbm>>, %arg5: memref<2x16x512xf32, #tpu.memory_space<hbm>>, %arg6: memref<128xi32, #tpu.memory_space<vmem>>, %arg7: memref<128xi32, #tpu.memory_space<vmem>>, %arg8: memref<128x32xf32, #tpu.memory_space<vmem>>, %arg9: memref<128x32xf32, #tpu.memory_space<vmem>>, %arg10: memref<128xf32, #tpu.memory_space<vmem>>, %arg11: memref<512xf32, #tpu.memory_space<vmem>>, %arg12: memref<8192xf32, #tpu.memory_space<vmem_shared>>, %arg13: memref<!tpu.dma_semaphore, #tpu.memory_space<semaphore_mem>>) attributes {dimension_semantics = [#tpu.dimension_semantics<core_parallel>, #tpu.dimension_semantics<subcore_parallel>], iteration_bounds = array<i64: 2, 16>, scalar_prefetch = 0 : i64, scratch_operands = 8 : i64, tpu.core_type = #tpu.core_type<sc_vector_subcore>, window_params = [{transform_indices = #map}, {transform_indices = #map}, {transform_indices = #map1}, {transform_indices = #map1}]} {
    %mul3A = arith.constant 2 : i32
    %mul3A_0 = arith.muli %arg1, %mul3A : i32
    %add3A = arith.addi %mul3A_0, %arg0 : i32
    %mul3A_1 = arith.constant 2 : i32
    %mul3A_2 = arith.muli %mul3A_1, %add3A : i32
    "tpu.region"() ({
      %run_scoped3A = tpu.sem_alloc : memref<!tpu.dma_semaphore, #tpu.memory_space<semaphore_mem>>
      %dma_start3A_266 = arith.constant 0 : i32
      %dma_start3A_267 = tpu.memref_slice %arg3[%mul3A_2, %dma_start3A_266] : memref<64x128xi32, #tpu.memory_space<hbm>> -> memref<1x128xi32, #tpu.memory_space<hbm>>
      %dma_start3A_268 = tpu.memref_squeeze %dma_start3A_267 : memref<1x128xi32, #tpu.memory_space<hbm>> -> memref<128xi32, #tpu.memory_space<hbm>>
      %dma_start3A_269 = arith.constant 0 : i32
      %dma_start3A_270 = tpu.memref_slice %arg3[%mul3A_2, %dma_start3A_269] : memref<64x128xi32, #tpu.memory_space<hbm>> -> memref<1x128xi32, #tpu.memory_space<hbm>>
      %dma_start3A_271 = tpu.memref_squeeze %dma_start3A_270 : memref<1x128xi32, #tpu.memory_space<hbm>> -> memref<128xi32, #tpu.memory_space<hbm>>
      tpu.enqueue_dma source(%dma_start3A_271 : memref<128xi32, #tpu.memory_space<hbm>>) target(%arg6 : memref<128xi32, #tpu.memory_space<vmem>>) target_semaphore(%run_scoped3A : memref<!tpu.dma_semaphore, #tpu.memory_space<semaphore_mem>>)
      %dma_wait3A_272 = arith.constant 0 : i32
      %dma_wait3A_273 = tpu.memref_slice %arg3[%mul3A_2, %dma_wait3A_272] : memref<64x128xi32, #tpu.memory_space<hbm>> -> memref<1x128xi32, #tpu.memory_space<hbm>>
      %dma_wait3A_274 = tpu.memref_squeeze %dma_wait3A_273 : memref<1x128xi32, #tpu.memory_space<hbm>> -> memref<128xi32, #tpu.memory_space<hbm>>
      %dma_wait3A_275 = arith.constant 0 : i32
      %dma_wait3A_276 = tpu.memref_slice %arg3[%mul3A_2, %dma_wait3A_275] : memref<64x128xi32, #tpu.memory_space<hbm>> -> memref<1x128xi32, #tpu.memory_space<hbm>>
      %dma_wait3A_277 = tpu.memref_squeeze %dma_wait3A_276 : memref<1x128xi32, #tpu.memory_space<hbm>> -> memref<128xi32, #tpu.memory_space<hbm>>
      tpu.wait_dma2 semaphore(%run_scoped3A : memref<!tpu.dma_semaphore, #tpu.memory_space<semaphore_mem>>) src(%dma_wait3A_277 : memref<128xi32, #tpu.memory_space<hbm>>) dst(%arg6 : memref<128xi32, #tpu.memory_space<vmem>>)
      tpu.yield
    }) : () -> ()
    %mul3A_3 = arith.constant 2 : i32
    %mul3A_4 = arith.muli %mul3A_3, %add3A : i32
    %add3A_5 = arith.constant 1 : i32
    %add3A_6 = arith.addi %mul3A_4, %add3A_5 : i32
    "tpu.region"() ({
      %run_scoped3A = tpu.sem_alloc : memref<!tpu.dma_semaphore, #tpu.memory_space<semaphore_mem>>
      %dma_start3A_266 = arith.constant 0 : i32
      %dma_start3A_267 = tpu.memref_slice %arg3[%add3A_6, %dma_start3A_266] : memref<64x128xi32, #tpu.memory_space<hbm>> -> memref<1x128xi32, #tpu.memory_space<hbm>>
      %dma_start3A_268 = tpu.memref_squeeze %dma_start3A_267 : memref<1x128xi32, #tpu.memory_space<hbm>> -> memref<128xi32, #tpu.memory_space<hbm>>
      %dma_start3A_269 = arith.constant 0 : i32
      %dma_start3A_270 = tpu.memref_slice %arg3[%add3A_6, %dma_start3A_269] : memref<64x128xi32, #tpu.memory_space<hbm>> -> memref<1x128xi32, #tpu.memory_space<hbm>>
      %dma_start3A_271 = tpu.memref_squeeze %dma_start3A_270 : memref<1x128xi32, #tpu.memory_space<hbm>> -> memref<128xi32, #tpu.memory_space<hbm>>
      tpu.enqueue_dma source(%dma_start3A_271 : memref<128xi32, #tpu.memory_space<hbm>>) target(%arg7 : memref<128xi32, #tpu.memory_space<vmem>>) target_semaphore(%run_scoped3A : memref<!tpu.dma_semaphore, #tpu.memory_space<semaphore_mem>>)
      %dma_wait3A_272 = arith.constant 0 : i32
      %dma_wait3A_273 = tpu.memref_slice %arg3[%add3A_6, %dma_wait3A_272] : memref<64x128xi32, #tpu.memory_space<hbm>> -> memref<1x128xi32, #tpu.memory_space<hbm>>
      %dma_wait3A_274 = tpu.memref_squeeze %dma_wait3A_273 : memref<1x128xi32, #tpu.memory_space<hbm>> -> memref<128xi32, #tpu.memory_space<hbm>>
      %dma_wait3A_275 = arith.constant 0 : i32
      %dma_wait3A_276 = tpu.memref_slice %arg3[%add3A_6, %dma_wait3A_275] : memref<64x128xi32, #tpu.memory_space<hbm>> -> memref<1x128xi32, #tpu.memory_space<hbm>>
      %dma_wait3A_277 = tpu.memref_squeeze %dma_wait3A_276 : memref<1x128xi32, #tpu.memory_space<hbm>> -> memref<128xi32, #tpu.memory_space<hbm>>
      tpu.wait_dma2 semaphore(%run_scoped3A : memref<!tpu.dma_semaphore, #tpu.memory_space<semaphore_mem>>) src(%dma_wait3A_277 : memref<128xi32, #tpu.memory_space<hbm>>) dst(%arg7 : memref<128xi32, #tpu.memory_space<vmem>>)
      tpu.yield
    }) : () -> ()
    %dma_start3A = arith.constant 0 : i32
    %dma_start3A_7 = arith.constant 0 : i32
    %dma_start3A_8 = tpu.memref_slice %arg2[%dma_start3A, %dma_start3A_7] : memref<8192x32xf32, #tpu.memory_space<hbm>> -> memref<8192x32xf32, #tpu.memory_space<hbm>>
    tpu.enqueue_indirect_dma source(%dma_start3A_8 : memref<8192x32xf32, #tpu.memory_space<hbm>>) target(%arg8 : memref<128x32xf32, #tpu.memory_space<vmem>>) offsets(%arg6 : memref<128xi32, #tpu.memory_space<vmem>>) semaphore(%arg13 : memref<!tpu.dma_semaphore, #tpu.memory_space<semaphore_mem>>)
    %dma_start3A_9 = arith.constant 0 : i32
    %dma_start3A_10 = arith.constant 0 : i32
    %dma_start3A_11 = tpu.memref_slice %arg2[%dma_start3A_9, %dma_start3A_10] : memref<8192x32xf32, #tpu.memory_space<hbm>> -> memref<8192x32xf32, #tpu.memory_space<hbm>>
    tpu.enqueue_indirect_dma source(%dma_start3A_11 : memref<8192x32xf32, #tpu.memory_space<hbm>>) target(%arg9 : memref<128x32xf32, #tpu.memory_space<vmem>>) offsets(%arg7 : memref<128xi32, #tpu.memory_space<vmem>>) semaphore(%arg13 : memref<!tpu.dma_semaphore, #tpu.memory_space<semaphore_mem>>)
    %broadcast_in_dim3A = arith.constant 1.000000e+00 : f32
    %broadcast_in_dim3A_12 = vector.broadcast %broadcast_in_dim3A : f32 to vector<16xf32>
    %swap3A = arith.constant 0 : index
    %swap3A_13 = tpu.vector_load %arg10[%swap3A] {strides = array<i32>} : memref<128xf32, #tpu.memory_space<vmem>>, vector<16xf32>,
    %swap3A_14 = vector.shape_cast %swap3A_13 : vector<16xf32> to vector<16xf32>
    %swap3A_15 = vector.shape_cast %broadcast_in_dim3A_12 : vector<16xf32> to vector<16xf32>
    tpu.vector_store %arg10[%swap3A], %swap3A_15 {strides = array<i32>} : memref<128xf32, #tpu.memory_space<vmem>>, vector<16xf32>,
    %broadcast_in_dim3A_16 = arith.constant 1.000000e+00 : f32
    %broadcast_in_dim3A_17 = vector.broadcast %broadcast_in_dim3A_16 : f32 to vector<16xf32>
    %swap3A_18 = arith.constant 16 : index
    %swap3A_19 = tpu.vector_load %arg10[%swap3A_18] {strides = array<i32>} : memref<128xf32, #tpu.memory_space<vmem>>, vector<16xf32>,
    %swap3A_20 = vector.shape_cast %swap3A_19 : vector<16xf32> to vector<16xf32>
    %swap3A_21 = vector.shape_cast %broadcast_in_dim3A_17 : vector<16xf32> to vector<16xf32>
    tpu.vector_store %arg10[%swap3A_18], %swap3A_21 {strides = array<i32>} : memref<128xf32, #tpu.memory_space<vmem>>, vector<16xf32>,
    %broadcast_in_dim3A_22 = arith.constant 1.000000e+00 : f32
    %broadcast_in_dim3A_23 = vector.broadcast %broadcast_in_dim3A_22 : f32 to vector<16xf32>
    %swap3A_24 = arith.constant 32 : index
    %swap3A_25 = tpu.vector_load %arg10[%swap3A_24] {strides = array<i32>} : memref<128xf32, #tpu.memory_space<vmem>>, vector<16xf32>,
    %swap3A_26 = vector.shape_cast %swap3A_25 : vector<16xf32> to vector<16xf32>
    %swap3A_27 = vector.shape_cast %broadcast_in_dim3A_23 : vector<16xf32> to vector<16xf32>
    tpu.vector_store %arg10[%swap3A_24], %swap3A_27 {strides = array<i32>} : memref<128xf32, #tpu.memory_space<vmem>>, vector<16xf32>,
    %broadcast_in_dim3A_28 = arith.constant 1.000000e+00 : f32
    %broadcast_in_dim3A_29 = vector.broadcast %broadcast_in_dim3A_28 : f32 to vector<16xf32>
    %swap3A_30 = arith.constant 48 : index
    %swap3A_31 = tpu.vector_load %arg10[%swap3A_30] {strides = array<i32>} : memref<128xf32, #tpu.memory_space<vmem>>, vector<16xf32>,
    %swap3A_32 = vector.shape_cast %swap3A_31 : vector<16xf32> to vector<16xf32>
    %swap3A_33 = vector.shape_cast %broadcast_in_dim3A_29 : vector<16xf32> to vector<16xf32>
    tpu.vector_store %arg10[%swap3A_30], %swap3A_33 {strides = array<i32>} : memref<128xf32, #tpu.memory_space<vmem>>, vector<16xf32>,
    %broadcast_in_dim3A_34 = arith.constant 1.000000e+00 : f32
    %broadcast_in_dim3A_35 = vector.broadcast %broadcast_in_dim3A_34 : f32 to vector<16xf32>
    %swap3A_36 = arith.constant 64 : index
    %swap3A_37 = tpu.vector_load %arg10[%swap3A_36] {strides = array<i32>} : memref<128xf32, #tpu.memory_space<vmem>>, vector<16xf32>,
    %swap3A_38 = vector.shape_cast %swap3A_37 : vector<16xf32> to vector<16xf32>
    %swap3A_39 = vector.shape_cast %broadcast_in_dim3A_35 : vector<16xf32> to vector<16xf32>
    tpu.vector_store %arg10[%swap3A_36], %swap3A_39 {strides = array<i32>} : memref<128xf32, #tpu.memory_space<vmem>>, vector<16xf32>,
    %broadcast_in_dim3A_40 = arith.constant 1.000000e+00 : f32
    %broadcast_in_dim3A_41 = vector.broadcast %broadcast_in_dim3A_40 : f32 to vector<16xf32>
    %swap3A_42 = arith.constant 80 : index
    %swap3A_43 = tpu.vector_load %arg10[%swap3A_42] {strides = array<i32>} : memref<128xf32, #tpu.memory_space<vmem>>, vector<16xf32>,
    %swap3A_44 = vector.shape_cast %swap3A_43 : vector<16xf32> to vector<16xf32>
    %swap3A_45 = vector.shape_cast %broadcast_in_dim3A_41 : vector<16xf32> to vector<16xf32>
    tpu.vector_store %arg10[%swap3A_42], %swap3A_45 {strides = array<i32>} : memref<128xf32, #tpu.memory_space<vmem>>, vector<16xf32>,
    %broadcast_in_dim3A_46 = arith.constant 1.000000e+00 : f32
    %broadcast_in_dim3A_47 = vector.broadcast %broadcast_in_dim3A_46 : f32 to vector<16xf32>
    %swap3A_48 = arith.constant 96 : index
    %swap3A_49 = tpu.vector_load %arg10[%swap3A_48] {strides = array<i32>} : memref<128xf32, #tpu.memory_space<vmem>>, vector<16xf32>,
    %swap3A_50 = vector.shape_cast %swap3A_49 : vector<16xf32> to vector<16xf32>
    %swap3A_51 = vector.shape_cast %broadcast_in_dim3A_47 : vector<16xf32> to vector<16xf32>
    tpu.vector_store %arg10[%swap3A_48], %swap3A_51 {strides = array<i32>} : memref<128xf32, #tpu.memory_space<vmem>>, vector<16xf32>,
    %broadcast_in_dim3A_52 = arith.constant 1.000000e+00 : f32
    %broadcast_in_dim3A_53 = vector.broadcast %broadcast_in_dim3A_52 : f32 to vector<16xf32>
    %swap3A_54 = arith.constant 112 : index
    %swap3A_55 = tpu.vector_load %arg10[%swap3A_54] {strides = array<i32>} : memref<128xf32, #tpu.memory_space<vmem>>, vector<16xf32>,
    %swap3A_56 = vector.shape_cast %swap3A_55 : vector<16xf32> to vector<16xf32>
    %swap3A_57 = vector.shape_cast %broadcast_in_dim3A_53 : vector<16xf32> to vector<16xf32>
    tpu.vector_store %arg10[%swap3A_54], %swap3A_57 {strides = array<i32>} : memref<128xf32, #tpu.memory_space<vmem>>, vector<16xf32>,
    %broadcast_in_dim3A_58 = arith.constant 0.000000e+00 : f32
    %broadcast_in_dim3A_59 = vector.broadcast %broadcast_in_dim3A_58 : f32 to vector<16xf32>
    %swap3A_60 = arith.constant 0 : index
    %swap3A_61 = tpu.vector_load %arg11[%swap3A_60] {strides = array<i32>} : memref<512xf32, #tpu.memory_space<vmem>>, vector<16xf32>,
    %swap3A_62 = vector.shape_cast %swap3A_61 : vector<16xf32> to vector<16xf32>
    %swap3A_63 = vector.shape_cast %broadcast_in_dim3A_59 : vector<16xf32> to vector<16xf32>
    tpu.vector_store %arg11[%swap3A_60], %swap3A_63 {strides = array<i32>} : memref<512xf32, #tpu.memory_space<vmem>>, vector<16xf32>,
    %broadcast_in_dim3A_64 = arith.constant 0.000000e+00 : f32
    %broadcast_in_dim3A_65 = vector.broadcast %broadcast_in_dim3A_64 : f32 to vector<16xf32>
    %swap3A_66 = arith.constant 16 : index
    %swap3A_67 = tpu.vector_load %arg11[%swap3A_66] {strides = array<i32>} : memref<512xf32, #tpu.memory_space<vmem>>, vector<16xf32>,
    %swap3A_68 = vector.shape_cast %swap3A_67 : vector<16xf32> to vector<16xf32>
    %swap3A_69 = vector.shape_cast %broadcast_in_dim3A_65 : vector<16xf32> to vector<16xf32>
    tpu.vector_store %arg11[%swap3A_66], %swap3A_69 {strides = array<i32>} : memref<512xf32, #tpu.memory_space<vmem>>, vector<16xf32>,
    %broadcast_in_dim3A_70 = arith.constant 0.000000e+00 : f32
    %broadcast_in_dim3A_71 = vector.broadcast %broadcast_in_dim3A_70 : f32 to vector<16xf32>
    %swap3A_72 = arith.constant 32 : index
    %swap3A_73 = tpu.vector_load %arg11[%swap3A_72] {strides = array<i32>} : memref<512xf32, #tpu.memory_space<vmem>>, vector<16xf32>,
    %swap3A_74 = vector.shape_cast %swap3A_73 : vector<16xf32> to vector<16xf32>
    %swap3A_75 = vector.shape_cast %broadcast_in_dim3A_71 : vector<16xf32> to vector<16xf32>
    tpu.vector_store %arg11[%swap3A_72], %swap3A_75 {strides = array<i32>} : memref<512xf32, #tpu.memory_space<vmem>>, vector<16xf32>,
    %broadcast_in_dim3A_76 = arith.constant 0.000000e+00 : f32
    %broadcast_in_dim3A_77 = vector.broadcast %broadcast_in_dim3A_76 : f32 to vector<16xf32>
    %swap3A_78 = arith.constant 48 : index
    %swap3A_79 = tpu.vector_load %arg11[%swap3A_78] {strides = array<i32>} : memref<512xf32, #tpu.memory_space<vmem>>, vector<16xf32>,
    %swap3A_80 = vector.shape_cast %swap3A_79 : vector<16xf32> to vector<16xf32>
    %swap3A_81 = vector.shape_cast %broadcast_in_dim3A_77 : vector<16xf32> to vector<16xf32>
    tpu.vector_store %arg11[%swap3A_78], %swap3A_81 {strides = array<i32>} : memref<512xf32, #tpu.memory_space<vmem>>, vector<16xf32>,
    %broadcast_in_dim3A_82 = arith.constant 0.000000e+00 : f32
    %broadcast_in_dim3A_83 = vector.broadcast %broadcast_in_dim3A_82 : f32 to vector<16xf32>
    %swap3A_84 = arith.constant 64 : index
    %swap3A_85 = tpu.vector_load %arg11[%swap3A_84] {strides = array<i32>} : memref<512xf32, #tpu.memory_space<vmem>>, vector<16xf32>,
    %swap3A_86 = vector.shape_cast %swap3A_85 : vector<16xf32> to vector<16xf32>
    %swap3A_87 = vector.shape_cast %broadcast_in_dim3A_83 : vector<16xf32> to vector<16xf32>
    tpu.vector_store %arg11[%swap3A_84], %swap3A_87 {strides = array<i32>} : memref<512xf32, #tpu.memory_space<vmem>>, vector<16xf32>,
    %broadcast_in_dim3A_88 = arith.constant 0.000000e+00 : f32
    %broadcast_in_dim3A_89 = vector.broadcast %broadcast_in_dim3A_88 : f32 to vector<16xf32>
    %swap3A_90 = arith.constant 80 : index
    %swap3A_91 = tpu.vector_load %arg11[%swap3A_90] {strides = array<i32>} : memref<512xf32, #tpu.memory_space<vmem>>, vector<16xf32>,
    %swap3A_92 = vector.shape_cast %swap3A_91 : vector<16xf32> to vector<16xf32>
    %swap3A_93 = vector.shape_cast %broadcast_in_dim3A_89 : vector<16xf32> to vector<16xf32>
    tpu.vector_store %arg11[%swap3A_90], %swap3A_93 {strides = array<i32>} : memref<512xf32, #tpu.memory_space<vmem>>, vector<16xf32>,
    %broadcast_in_dim3A_94 = arith.constant 0.000000e+00 : f32
    %broadcast_in_dim3A_95 = vector.broadcast %broadcast_in_dim3A_94 : f32 to vector<16xf32>
    %swap3A_96 = arith.constant 96 : index
    %swap3A_97 = tpu.vector_load %arg11[%swap3A_96] {strides = array<i32>} : memref<512xf32, #tpu.memory_space<vmem>>, vector<16xf32>,
    %swap3A_98 = vector.shape_cast %swap3A_97 : vector<16xf32> to vector<16xf32>
    %swap3A_99 = vector.shape_cast %broadcast_in_dim3A_95 : vector<16xf32> to vector<16xf32>
    tpu.vector_store %arg11[%swap3A_96], %swap3A_99 {strides = array<i32>} : memref<512xf32, #tpu.memory_space<vmem>>, vector<16xf32>,
    %broadcast_in_dim3A_100 = arith.constant 0.000000e+00 : f32
    %broadcast_in_dim3A_101 = vector.broadcast %broadcast_in_dim3A_100 : f32 to vector<16xf32>
    %swap3A_102 = arith.constant 112 : index
    %swap3A_103 = tpu.vector_load %arg11[%swap3A_102] {strides = array<i32>} : memref<512xf32, #tpu.memory_space<vmem>>, vector<16xf32>,
    %swap3A_104 = vector.shape_cast %swap3A_103 : vector<16xf32> to vector<16xf32>
    %swap3A_105 = vector.shape_cast %broadcast_in_dim3A_101 : vector<16xf32> to vector<16xf32>
    tpu.vector_store %arg11[%swap3A_102], %swap3A_105 {strides = array<i32>} : memref<512xf32, #tpu.memory_space<vmem>>, vector<16xf32>,
    %broadcast_in_dim3A_106 = arith.constant 0.000000e+00 : f32
    %broadcast_in_dim3A_107 = vector.broadcast %broadcast_in_dim3A_106 : f32 to vector<16xf32>
    %swap3A_108 = arith.constant 128 : index
    %swap3A_109 = tpu.vector_load %arg11[%swap3A_108] {strides = array<i32>} : memref<512xf32, #tpu.memory_space<vmem>>, vector<16xf32>,
    %swap3A_110 = vector.shape_cast %swap3A_109 : vector<16xf32> to vector<16xf32>
    %swap3A_111 = vector.shape_cast %broadcast_in_dim3A_107 : vector<16xf32> to vector<16xf32>
    tpu.vector_store %arg11[%swap3A_108], %swap3A_111 {strides = array<i32>} : memref<512xf32, #tpu.memory_space<vmem>>, vector<16xf32>,
    %broadcast_in_dim3A_112 = arith.constant 0.000000e+00 : f32
    %broadcast_in_dim3A_113 = vector.broadcast %broadcast_in_dim3A_112 : f32 to vector<16xf32>
    %swap3A_114 = arith.constant 144 : index
    %swap3A_115 = tpu.vector_load %arg11[%swap3A_114] {strides = array<i32>} : memref<512xf32, #tpu.memory_space<vmem>>, vector<16xf32>,
    %swap3A_116 = vector.shape_cast %swap3A_115 : vector<16xf32> to vector<16xf32>
    %swap3A_117 = vector.shape_cast %broadcast_in_dim3A_113 : vector<16xf32> to vector<16xf32>
    tpu.vector_store %arg11[%swap3A_114], %swap3A_117 {strides = array<i32>} : memref<512xf32, #tpu.memory_space<vmem>>, vector<16xf32>,
    %broadcast_in_dim3A_118 = arith.constant 0.000000e+00 : f32
    %broadcast_in_dim3A_119 = vector.broadcast %broadcast_in_dim3A_118 : f32 to vector<16xf32>
    %swap3A_120 = arith.constant 160 : index
    %swap3A_121 = tpu.vector_load %arg11[%swap3A_120] {strides = array<i32>} : memref<512xf32, #tpu.memory_space<vmem>>, vector<16xf32>,
    %swap3A_122 = vector.shape_cast %swap3A_121 : vector<16xf32> to vector<16xf32>
    %swap3A_123 = vector.shape_cast %broadcast_in_dim3A_119 : vector<16xf32> to vector<16xf32>
    tpu.vector_store %arg11[%swap3A_120], %swap3A_123 {strides = array<i32>} : memref<512xf32, #tpu.memory_space<vmem>>, vector<16xf32>,
    %broadcast_in_dim3A_124 = arith.constant 0.000000e+00 : f32
    %broadcast_in_dim3A_125 = vector.broadcast %broadcast_in_dim3A_124 : f32 to vector<16xf32>
    %swap3A_126 = arith.constant 176 : index
    %swap3A_127 = tpu.vector_load %arg11[%swap3A_126] {strides = array<i32>} : memref<512xf32, #tpu.memory_space<vmem>>, vector<16xf32>,
    %swap3A_128 = vector.shape_cast %swap3A_127 : vector<16xf32> to vector<16xf32>
    %swap3A_129 = vector.shape_cast %broadcast_in_dim3A_125 : vector<16xf32> to vector<16xf32>
    tpu.vector_store %arg11[%swap3A_126], %swap3A_129 {strides = array<i32>} : memref<512xf32, #tpu.memory_space<vmem>>, vector<16xf32>,
    %broadcast_in_dim3A_130 = arith.constant 0.000000e+00 : f32
    %broadcast_in_dim3A_131 = vector.broadcast %broadcast_in_dim3A_130 : f32 to vector<16xf32>
    %swap3A_132 = arith.constant 192 : index
    %swap3A_133 = tpu.vector_load %arg11[%swap3A_132] {strides = array<i32>} : memref<512xf32, #tpu.memory_space<vmem>>, vector<16xf32>,
    %swap3A_134 = vector.shape_cast %swap3A_133 : vector<16xf32> to vector<16xf32>
    %swap3A_135 = vector.shape_cast %broadcast_in_dim3A_131 : vector<16xf32> to vector<16xf32>
    tpu.vector_store %arg11[%swap3A_132], %swap3A_135 {strides = array<i32>} : memref<512xf32, #tpu.memory_space<vmem>>, vector<16xf32>,
    %broadcast_in_dim3A_136 = arith.constant 0.000000e+00 : f32
    %broadcast_in_dim3A_137 = vector.broadcast %broadcast_in_dim3A_136 : f32 to vector<16xf32>
    %swap3A_138 = arith.constant 208 : index
    %swap3A_139 = tpu.vector_load %arg11[%swap3A_138] {strides = array<i32>} : memref<512xf32, #tpu.memory_space<vmem>>, vector<16xf32>,
    %swap3A_140 = vector.shape_cast %swap3A_139 : vector<16xf32> to vector<16xf32>
    %swap3A_141 = vector.shape_cast %broadcast_in_dim3A_137 : vector<16xf32> to vector<16xf32>
    tpu.vector_store %arg11[%swap3A_138], %swap3A_141 {strides = array<i32>} : memref<512xf32, #tpu.memory_space<vmem>>, vector<16xf32>,
    %broadcast_in_dim3A_142 = arith.constant 0.000000e+00 : f32
    %broadcast_in_dim3A_143 = vector.broadcast %broadcast_in_dim3A_142 : f32 to vector<16xf32>
    %swap3A_144 = arith.constant 224 : index
    %swap3A_145 = tpu.vector_load %arg11[%swap3A_144] {strides = array<i32>} : memref<512xf32, #tpu.memory_space<vmem>>, vector<16xf32>,
    %swap3A_146 = vector.shape_cast %swap3A_145 : vector<16xf32> to vector<16xf32>
    %swap3A_147 = vector.shape_cast %broadcast_in_dim3A_143 : vector<16xf32> to vector<16xf32>
    tpu.vector_store %arg11[%swap3A_144], %swap3A_147 {strides = array<i32>} : memref<512xf32, #tpu.memory_space<vmem>>, vector<16xf32>,
    %broadcast_in_dim3A_148 = arith.constant 0.000000e+00 : f32
    %broadcast_in_dim3A_149 = vector.broadcast %broadcast_in_dim3A_148 : f32 to vector<16xf32>
    %swap3A_150 = arith.constant 240 : index
    %swap3A_151 = tpu.vector_load %arg11[%swap3A_150] {strides = array<i32>} : memref<512xf32, #tpu.memory_space<vmem>>, vector<16xf32>,
    %swap3A_152 = vector.shape_cast %swap3A_151 : vector<16xf32> to vector<16xf32>
    %swap3A_153 = vector.shape_cast %broadcast_in_dim3A_149 : vector<16xf32> to vector<16xf32>
    tpu.vector_store %arg11[%swap3A_150], %swap3A_153 {strides = array<i32>} : memref<512xf32, #tpu.memory_space<vmem>>, vector<16xf32>,
    %broadcast_in_dim3A_154 = arith.constant 0.000000e+00 : f32
    %broadcast_in_dim3A_155 = vector.broadcast %broadcast_in_dim3A_154 : f32 to vector<16xf32>
    %swap3A_156 = arith.constant 256 : index
    %swap3A_157 = tpu.vector_load %arg11[%swap3A_156] {strides = array<i32>} : memref<512xf32, #tpu.memory_space<vmem>>, vector<16xf32>,
    %swap3A_158 = vector.shape_cast %swap3A_157 : vector<16xf32> to vector<16xf32>
    %swap3A_159 = vector.shape_cast %broadcast_in_dim3A_155 : vector<16xf32> to vector<16xf32>
    tpu.vector_store %arg11[%swap3A_156], %swap3A_159 {strides = array<i32>} : memref<512xf32, #tpu.memory_space<vmem>>, vector<16xf32>,
    %broadcast_in_dim3A_160 = arith.constant 0.000000e+00 : f32
    %broadcast_in_dim3A_161 = vector.broadcast %broadcast_in_dim3A_160 : f32 to vector<16xf32>
    %swap3A_162 = arith.constant 272 : index
    %swap3A_163 = tpu.vector_load %arg11[%swap3A_162] {strides = array<i32>} : memref<512xf32, #tpu.memory_space<vmem>>, vector<16xf32>,
    %swap3A_164 = vector.shape_cast %swap3A_163 : vector<16xf32> to vector<16xf32>
    %swap3A_165 = vector.shape_cast %broadcast_in_dim3A_161 : vector<16xf32> to vector<16xf32>
    tpu.vector_store %arg11[%swap3A_162], %swap3A_165 {strides = array<i32>} : memref<512xf32, #tpu.memory_space<vmem>>, vector<16xf32>,
    %broadcast_in_dim3A_166 = arith.constant 0.000000e+00 : f32
    %broadcast_in_dim3A_167 = vector.broadcast %broadcast_in_dim3A_166 : f32 to vector<16xf32>
    %swap3A_168 = arith.constant 288 : index
    %swap3A_169 = tpu.vector_load %arg11[%swap3A_168] {strides = array<i32>} : memref<512xf32, #tpu.memory_space<vmem>>, vector<16xf32>,
    %swap3A_170 = vector.shape_cast %swap3A_169 : vector<16xf32> to vector<16xf32>
    %swap3A_171 = vector.shape_cast %broadcast_in_dim3A_167 : vector<16xf32> to vector<16xf32>
    tpu.vector_store %arg11[%swap3A_168], %swap3A_171 {strides = array<i32>} : memref<512xf32, #tpu.memory_space<vmem>>, vector<16xf32>,
    %broadcast_in_dim3A_172 = arith.constant 0.000000e+00 : f32
    %broadcast_in_dim3A_173 = vector.broadcast %broadcast_in_dim3A_172 : f32 to vector<16xf32>
    %swap3A_174 = arith.constant 304 : index
    %swap3A_175 = tpu.vector_load %arg11[%swap3A_174] {strides = array<i32>} : memref<512xf32, #tpu.memory_space<vmem>>, vector<16xf32>,
    %swap3A_176 = vector.shape_cast %swap3A_175 : vector<16xf32> to vector<16xf32>
    %swap3A_177 = vector.shape_cast %broadcast_in_dim3A_173 : vector<16xf32> to vector<16xf32>
    tpu.vector_store %arg11[%swap3A_174], %swap3A_177 {strides = array<i32>} : memref<512xf32, #tpu.memory_space<vmem>>, vector<16xf32>,
    %broadcast_in_dim3A_178 = arith.constant 0.000000e+00 : f32
    %broadcast_in_dim3A_179 = vector.broadcast %broadcast_in_dim3A_178 : f32 to vector<16xf32>
    %swap3A_180 = arith.constant 320 : index
    %swap3A_181 = tpu.vector_load %arg11[%swap3A_180] {strides = array<i32>} : memref<512xf32, #tpu.memory_space<vmem>>, vector<16xf32>,
    %swap3A_182 = vector.shape_cast %swap3A_181 : vector<16xf32> to vector<16xf32>
    %swap3A_183 = vector.shape_cast %broadcast_in_dim3A_179 : vector<16xf32> to vector<16xf32>
    tpu.vector_store %arg11[%swap3A_180], %swap3A_183 {strides = array<i32>} : memref<512xf32, #tpu.memory_space<vmem>>, vector<16xf32>,
    %broadcast_in_dim3A_184 = arith.constant 0.000000e+00 : f32
    %broadcast_in_dim3A_185 = vector.broadcast %broadcast_in_dim3A_184 : f32 to vector<16xf32>
    %swap3A_186 = arith.constant 336 : index
    %swap3A_187 = tpu.vector_load %arg11[%swap3A_186] {strides = array<i32>} : memref<512xf32, #tpu.memory_space<vmem>>, vector<16xf32>,
    %swap3A_188 = vector.shape_cast %swap3A_187 : vector<16xf32> to vector<16xf32>
    %swap3A_189 = vector.shape_cast %broadcast_in_dim3A_185 : vector<16xf32> to vector<16xf32>
    tpu.vector_store %arg11[%swap3A_186], %swap3A_189 {strides = array<i32>} : memref<512xf32, #tpu.memory_space<vmem>>, vector<16xf32>,
    %broadcast_in_dim3A_190 = arith.constant 0.000000e+00 : f32
    %broadcast_in_dim3A_191 = vector.broadcast %broadcast_in_dim3A_190 : f32 to vector<16xf32>
    %swap3A_192 = arith.constant 352 : index
    %swap3A_193 = tpu.vector_load %arg11[%swap3A_192] {strides = array<i32>} : memref<512xf32, #tpu.memory_space<vmem>>, vector<16xf32>,
    %swap3A_194 = vector.shape_cast %swap3A_193 : vector<16xf32> to vector<16xf32>
    %swap3A_195 = vector.shape_cast %broadcast_in_dim3A_191 : vector<16xf32> to vector<16xf32>
    tpu.vector_store %arg11[%swap3A_192], %swap3A_195 {strides = array<i32>} : memref<512xf32, #tpu.memory_space<vmem>>, vector<16xf32>,
    %broadcast_in_dim3A_196 = arith.constant 0.000000e+00 : f32
    %broadcast_in_dim3A_197 = vector.broadcast %broadcast_in_dim3A_196 : f32 to vector<16xf32>
    %swap3A_198 = arith.constant 368 : index
    %swap3A_199 = tpu.vector_load %arg11[%swap3A_198] {strides = array<i32>} : memref<512xf32, #tpu.memory_space<vmem>>, vector<16xf32>,
    %swap3A_200 = vector.shape_cast %swap3A_199 : vector<16xf32> to vector<16xf32>
    %swap3A_201 = vector.shape_cast %broadcast_in_dim3A_197 : vector<16xf32> to vector<16xf32>
    tpu.vector_store %arg11[%swap3A_198], %swap3A_201 {strides = array<i32>} : memref<512xf32, #tpu.memory_space<vmem>>, vector<16xf32>,
    %broadcast_in_dim3A_202 = arith.constant 0.000000e+00 : f32
    %broadcast_in_dim3A_203 = vector.broadcast %broadcast_in_dim3A_202 : f32 to vector<16xf32>
    %swap3A_204 = arith.constant 384 : index
    %swap3A_205 = tpu.vector_load %arg11[%swap3A_204] {strides = array<i32>} : memref<512xf32, #tpu.memory_space<vmem>>, vector<16xf32>,
    %swap3A_206 = vector.shape_cast %swap3A_205 : vector<16xf32> to vector<16xf32>
    %swap3A_207 = vector.shape_cast %broadcast_in_dim3A_203 : vector<16xf32> to vector<16xf32>
    tpu.vector_store %arg11[%swap3A_204], %swap3A_207 {strides = array<i32>} : memref<512xf32, #tpu.memory_space<vmem>>, vector<16xf32>,
    %broadcast_in_dim3A_208 = arith.constant 0.000000e+00 : f32
    %broadcast_in_dim3A_209 = vector.broadcast %broadcast_in_dim3A_208 : f32 to vector<16xf32>
    %swap3A_210 = arith.constant 400 : index
    %swap3A_211 = tpu.vector_load %arg11[%swap3A_210] {strides = array<i32>} : memref<512xf32, #tpu.memory_space<vmem>>, vector<16xf32>,
    %swap3A_212 = vector.shape_cast %swap3A_211 : vector<16xf32> to vector<16xf32>
    %swap3A_213 = vector.shape_cast %broadcast_in_dim3A_209 : vector<16xf32> to vector<16xf32>
    tpu.vector_store %arg11[%swap3A_210], %swap3A_213 {strides = array<i32>} : memref<512xf32, #tpu.memory_space<vmem>>, vector<16xf32>,
    %broadcast_in_dim3A_214 = arith.constant 0.000000e+00 : f32
    %broadcast_in_dim3A_215 = vector.broadcast %broadcast_in_dim3A_214 : f32 to vector<16xf32>
    %swap3A_216 = arith.constant 416 : index
    %swap3A_217 = tpu.vector_load %arg11[%swap3A_216] {strides = array<i32>} : memref<512xf32, #tpu.memory_space<vmem>>, vector<16xf32>,
    %swap3A_218 = vector.shape_cast %swap3A_217 : vector<16xf32> to vector<16xf32>
    %swap3A_219 = vector.shape_cast %broadcast_in_dim3A_215 : vector<16xf32> to vector<16xf32>
    tpu.vector_store %arg11[%swap3A_216], %swap3A_219 {strides = array<i32>} : memref<512xf32, #tpu.memory_space<vmem>>, vector<16xf32>,
    %broadcast_in_dim3A_220 = arith.constant 0.000000e+00 : f32
    %broadcast_in_dim3A_221 = vector.broadcast %broadcast_in_dim3A_220 : f32 to vector<16xf32>
    %swap3A_222 = arith.constant 432 : index
    %swap3A_223 = tpu.vector_load %arg11[%swap3A_222] {strides = array<i32>} : memref<512xf32, #tpu.memory_space<vmem>>, vector<16xf32>,
    %swap3A_224 = vector.shape_cast %swap3A_223 : vector<16xf32> to vector<16xf32>
    %swap3A_225 = vector.shape_cast %broadcast_in_dim3A_221 : vector<16xf32> to vector<16xf32>
    tpu.vector_store %arg11[%swap3A_222], %swap3A_225 {strides = array<i32>} : memref<512xf32, #tpu.memory_space<vmem>>, vector<16xf32>,
    %broadcast_in_dim3A_226 = arith.constant 0.000000e+00 : f32
    %broadcast_in_dim3A_227 = vector.broadcast %broadcast_in_dim3A_226 : f32 to vector<16xf32>
    %swap3A_228 = arith.constant 448 : index
    %swap3A_229 = tpu.vector_load %arg11[%swap3A_228] {strides = array<i32>} : memref<512xf32, #tpu.memory_space<vmem>>, vector<16xf32>,
    %swap3A_230 = vector.shape_cast %swap3A_229 : vector<16xf32> to vector<16xf32>
    %swap3A_231 = vector.shape_cast %broadcast_in_dim3A_227 : vector<16xf32> to vector<16xf32>
    tpu.vector_store %arg11[%swap3A_228], %swap3A_231 {strides = array<i32>} : memref<512xf32, #tpu.memory_space<vmem>>, vector<16xf32>,
    %broadcast_in_dim3A_232 = arith.constant 0.000000e+00 : f32
    %broadcast_in_dim3A_233 = vector.broadcast %broadcast_in_dim3A_232 : f32 to vector<16xf32>
    %swap3A_234 = arith.constant 464 : index
    %swap3A_235 = tpu.vector_load %arg11[%swap3A_234] {strides = array<i32>} : memref<512xf32, #tpu.memory_space<vmem>>, vector<16xf32>,
    %swap3A_236 = vector.shape_cast %swap3A_235 : vector<16xf32> to vector<16xf32>
    %swap3A_237 = vector.shape_cast %broadcast_in_dim3A_233 : vector<16xf32> to vector<16xf32>
    tpu.vector_store %arg11[%swap3A_234], %swap3A_237 {strides = array<i32>} : memref<512xf32, #tpu.memory_space<vmem>>, vector<16xf32>,
    %broadcast_in_dim3A_238 = arith.constant 0.000000e+00 : f32
    %broadcast_in_dim3A_239 = vector.broadcast %broadcast_in_dim3A_238 : f32 to vector<16xf32>
    %swap3A_240 = arith.constant 480 : index
    %swap3A_241 = tpu.vector_load %arg11[%swap3A_240] {strides = array<i32>} : memref<512xf32, #tpu.memory_space<vmem>>, vector<16xf32>,
    %swap3A_242 = vector.shape_cast %swap3A_241 : vector<16xf32> to vector<16xf32>
    %swap3A_243 = vector.shape_cast %broadcast_in_dim3A_239 : vector<16xf32> to vector<16xf32>
    tpu.vector_store %arg11[%swap3A_240], %swap3A_243 {strides = array<i32>} : memref<512xf32, #tpu.memory_space<vmem>>, vector<16xf32>,
    %broadcast_in_dim3A_244 = arith.constant 0.000000e+00 : f32
    %broadcast_in_dim3A_245 = vector.broadcast %broadcast_in_dim3A_244 : f32 to vector<16xf32>
    %swap3A_246 = arith.constant 496 : index
    %swap3A_247 = tpu.vector_load %arg11[%swap3A_246] {strides = array<i32>} : memref<512xf32, #tpu.memory_space<vmem>>, vector<16xf32>,
    %swap3A_248 = vector.shape_cast %swap3A_247 : vector<16xf32> to vector<16xf32>
    %swap3A_249 = vector.shape_cast %broadcast_in_dim3A_245 : vector<16xf32> to vector<16xf32>
    tpu.vector_store %arg11[%swap3A_246], %swap3A_249 {strides = array<i32>} : memref<512xf32, #tpu.memory_space<vmem>>, vector<16xf32>,
    %mul3A_250 = arith.constant 512 : i32
    %mul3A_251 = arith.muli %arg1, %mul3A_250 : i32
    "tpu.region"() ({
      %run_scoped3A = tpu.sem_alloc : memref<!tpu.dma_semaphore, #tpu.memory_space<semaphore_mem>>
      %dma_start3A_266 = tpu.memref_slice %arg12[%mul3A_251] : memref<8192xf32, #tpu.memory_space<vmem_shared>> -> memref<512xf32, #tpu.memory_space<vmem_shared>>
      %dma_start3A_267 = tpu.memref_slice %arg12[%mul3A_251] : memref<8192xf32, #tpu.memory_space<vmem_shared>> -> memref<512xf32, #tpu.memory_space<vmem_shared>>
      tpu.enqueue_dma source(%arg11 : memref<512xf32, #tpu.memory_space<vmem>>) target(%dma_start3A_267 : memref<512xf32, #tpu.memory_space<vmem_shared>>) target_semaphore(%run_scoped3A : memref<!tpu.dma_semaphore, #tpu.memory_space<semaphore_mem>>)
      %dma_wait3A_268 = tpu.memref_slice %arg12[%mul3A_251] : memref<8192xf32, #tpu.memory_space<vmem_shared>> -> memref<512xf32, #tpu.memory_space<vmem_shared>>
      %dma_wait3A_269 = tpu.memref_slice %arg12[%mul3A_251] : memref<8192xf32, #tpu.memory_space<vmem_shared>> -> memref<512xf32, #tpu.memory_space<vmem_shared>>
      tpu.wait_dma2 semaphore(%run_scoped3A : memref<!tpu.dma_semaphore, #tpu.memory_space<semaphore_mem>>) src(%arg11 : memref<512xf32, #tpu.memory_space<vmem>>) dst(%dma_wait3A_269 : memref<512xf32, #tpu.memory_space<vmem_shared>>)
      tpu.yield
    }) : () -> ()
    %barrier3A = arith.constant 0 : index
    tpu.barrier barrier_id(%barrier3A)
    "tpu.region"() ({
      %run_scoped3A = tpu.sem_alloc : memref<!tpu.dma_semaphore, #tpu.memory_space<semaphore_mem>>
      %dma_start3A_266 = arith.constant 0 : i32
      %dma_start3A_267 = tpu.memref_slice %arg12[%dma_start3A_266] : memref<8192xf32, #tpu.memory_space<vmem_shared>> -> memref<8192xf32, #tpu.memory_space<vmem_shared>>
      tpu.enqueue_indirect_dma source(%arg10 : memref<128xf32, #tpu.memory_space<vmem>>) target(%dma_start3A_267 : memref<8192xf32, #tpu.memory_space<vmem_shared>>) offsets(%arg6 : memref<128xi32, #tpu.memory_space<vmem>>) semaphore(%run_scoped3A : memref<!tpu.dma_semaphore, #tpu.memory_space<semaphore_mem>>) {add = true}
      %dma_wait3A_268 = arith.constant 0 : i32
      %dma_wait3A_269 = tpu.memref_slice %arg12[%dma_wait3A_268] : memref<8192xf32, #tpu.memory_space<vmem_shared>> -> memref<8192xf32, #tpu.memory_space<vmem_shared>>
      tpu.wait_indirect_dma semaphore(%run_scoped3A : memref<!tpu.dma_semaphore, #tpu.memory_space<semaphore_mem>>) src(%arg10 : memref<128xf32, #tpu.memory_space<vmem>>) dst(%dma_wait3A_269 : memref<8192xf32, #tpu.memory_space<vmem_shared>>)
      tpu.yield
    }) : () -> ()
    "tpu.region"() ({
      %run_scoped3A = tpu.sem_alloc : memref<!tpu.dma_semaphore, #tpu.memory_space<semaphore_mem>>
      %dma_start3A_266 = arith.constant 0 : i32
      %dma_start3A_267 = tpu.memref_slice %arg12[%dma_start3A_266] : memref<8192xf32, #tpu.memory_space<vmem_shared>> -> memref<8192xf32, #tpu.memory_space<vmem_shared>>
      tpu.enqueue_indirect_dma source(%arg10 : memref<128xf32, #tpu.memory_space<vmem>>) target(%dma_start3A_267 : memref<8192xf32, #tpu.memory_space<vmem_shared>>) offsets(%arg7 : memref<128xi32, #tpu.memory_space<vmem>>) semaphore(%run_scoped3A : memref<!tpu.dma_semaphore, #tpu.memory_space<semaphore_mem>>) {add = true}
      %dma_wait3A_268 = arith.constant 0 : i32
      %dma_wait3A_269 = tpu.memref_slice %arg12[%dma_wait3A_268] : memref<8192xf32, #tpu.memory_space<vmem_shared>> -> memref<8192xf32, #tpu.memory_space<vmem_shared>>
      tpu.wait_indirect_dma semaphore(%run_scoped3A : memref<!tpu.dma_semaphore, #tpu.memory_space<semaphore_mem>>) src(%arg10 : memref<128xf32, #tpu.memory_space<vmem>>) dst(%dma_wait3A_269 : memref<8192xf32, #tpu.memory_space<vmem_shared>>)
      tpu.yield
    }) : () -> ()
    %barrier3A_252 = arith.constant 0 : index
    tpu.barrier barrier_id(%barrier3A_252)
    %mul3A_253 = arith.constant 512 : i32
    %mul3A_254 = arith.muli %arg1, %mul3A_253 : i32
    "tpu.region"() ({
      %run_scoped3A = tpu.sem_alloc : memref<!tpu.dma_semaphore, #tpu.memory_space<semaphore_mem>>
      %dma_start3A_266 = arith.constant 0 : i32
      %dma_start3A_267 = tpu.memref_slice %arg5[%arg0, %arg1, %dma_start3A_266] : memref<2x16x512xf32, #tpu.memory_space<hbm>> -> memref<1x1x512xf32, #tpu.memory_space<hbm>>
      %dma_start3A_268 = tpu.memref_squeeze %dma_start3A_267 : memref<1x1x512xf32, #tpu.memory_space<hbm>> -> memref<512xf32, #tpu.memory_space<hbm>>
      %dma_start3A_269 = tpu.memref_slice %arg12[%mul3A_254] : memref<8192xf32, #tpu.memory_space<vmem_shared>> -> memref<512xf32, #tpu.memory_space<vmem_shared>>
      tpu.enqueue_dma source(%dma_start3A_269 : memref<512xf32, #tpu.memory_space<vmem_shared>>) target(%dma_start3A_268 : memref<512xf32, #tpu.memory_space<hbm>>) target_semaphore(%run_scoped3A : memref<!tpu.dma_semaphore, #tpu.memory_space<semaphore_mem>>)
      %dma_wait3A_270 = arith.constant 0 : i32
      %dma_wait3A_271 = tpu.memref_slice %arg5[%arg0, %arg1, %dma_wait3A_270] : memref<2x16x512xf32, #tpu.memory_space<hbm>> -> memref<1x1x512xf32, #tpu.memory_space<hbm>>
      %dma_wait3A_272 = tpu.memref_squeeze %dma_wait3A_271 : memref<1x1x512xf32, #tpu.memory_space<hbm>> -> memref<512xf32, #tpu.memory_space<hbm>>
      %dma_wait3A_273 = tpu.memref_slice %arg12[%mul3A_254] : memref<8192xf32, #tpu.memory_space<vmem_shared>> -> memref<512xf32, #tpu.memory_space<vmem_shared>>
      tpu.wait_dma2 semaphore(%run_scoped3A : memref<!tpu.dma_semaphore, #tpu.memory_space<semaphore_mem>>) src(%dma_wait3A_273 : memref<512xf32, #tpu.memory_space<vmem_shared>>) dst(%dma_wait3A_272 : memref<512xf32, #tpu.memory_space<hbm>>)
      tpu.yield
    }) : () -> ()
    %dma_wait3A = arith.constant 0 : i32
    %dma_wait3A_255 = arith.constant 0 : i32
    %dma_wait3A_256 = tpu.memref_slice %arg2[%dma_wait3A, %dma_wait3A_255] : memref<8192x32xf32, #tpu.memory_space<hbm>> -> memref<8192x32xf32, #tpu.memory_space<hbm>>
    tpu.wait_indirect_dma semaphore(%arg13 : memref<!tpu.dma_semaphore, #tpu.memory_space<semaphore_mem>>) src(%dma_wait3A_256 : memref<8192x32xf32, #tpu.memory_space<hbm>>) dst(%arg8 : memref<128x32xf32, #tpu.memory_space<vmem>>)
    %dma_wait3A_257 = arith.constant 0 : i32
    %dma_wait3A_258 = arith.constant 0 : i32
    %dma_wait3A_259 = tpu.memref_slice %arg2[%dma_wait3A_257, %dma_wait3A_258] : memref<8192x32xf32, #tpu.memory_space<hbm>> -> memref<8192x32xf32, #tpu.memory_space<hbm>>
    tpu.wait_indirect_dma semaphore(%arg13 : memref<!tpu.dma_semaphore, #tpu.memory_space<semaphore_mem>>) src(%dma_wait3A_259 : memref<8192x32xf32, #tpu.memory_space<hbm>>) dst(%arg9 : memref<128x32xf32, #tpu.memory_space<vmem>>)
    %mul3A_260 = arith.constant 2 : i32
    %mul3A_261 = arith.muli %mul3A_260, %add3A : i32
    "tpu.region"() ({
      %run_scoped3A = tpu.sem_alloc : memref<!tpu.dma_semaphore, #tpu.memory_space<semaphore_mem>>
      %dma_start3A_266 = arith.constant 0 : i32
      %dma_start3A_267 = arith.constant 0 : i32
      %dma_start3A_268 = tpu.memref_slice %arg4[%mul3A_261, %dma_start3A_266, %dma_start3A_267] : memref<64x128x32xf32, #tpu.memory_space<hbm>> -> memref<1x128x32xf32, #tpu.memory_space<hbm>>
      %dma_start3A_269 = tpu.memref_squeeze %dma_start3A_268 : memref<1x128x32xf32, #tpu.memory_space<hbm>> -> memref<128x32xf32, #tpu.memory_space<hbm>>
      %dma_start3A_270 = arith.constant 0 : i32
      %dma_start3A_271 = arith.constant 0 : i32
      %dma_start3A_272 = tpu.memref_slice %arg4[%mul3A_261, %dma_start3A_270, %dma_start3A_271] : memref<64x128x32xf32, #tpu.memory_space<hbm>> -> memref<1x128x32xf32, #tpu.memory_space<hbm>>
      %dma_start3A_273 = tpu.memref_squeeze %dma_start3A_272 : memref<1x128x32xf32, #tpu.memory_space<hbm>> -> memref<128x32xf32, #tpu.memory_space<hbm>>
      tpu.enqueue_dma source(%arg8 : memref<128x32xf32, #tpu.memory_space<vmem>>) target(%dma_start3A_273 : memref<128x32xf32, #tpu.memory_space<hbm>>) target_semaphore(%run_scoped3A : memref<!tpu.dma_semaphore, #tpu.memory_space<semaphore_mem>>)
      %dma_wait3A_274 = arith.constant 0 : i32
      %dma_wait3A_275 = arith.constant 0 : i32
      %dma_wait3A_276 = tpu.memref_slice %arg4[%mul3A_261, %dma_wait3A_274, %dma_wait3A_275] : memref<64x128x32xf32, #tpu.memory_space<hbm>> -> memref<1x128x32xf32, #tpu.memory_space<hbm>>
      %dma_wait3A_277 = tpu.memref_squeeze %dma_wait3A_276 : memref<1x128x32xf32, #tpu.memory_space<hbm>> -> memref<128x32xf32, #tpu.memory_space<hbm>>
      %dma_wait3A_278 = arith.constant 0 : i32
      %dma_wait3A_279 = arith.constant 0 : i32
      %dma_wait3A_280 = tpu.memref_slice %arg4[%mul3A_261, %dma_wait3A_278, %dma_wait3A_279] : memref<64x128x32xf32, #tpu.memory_space<hbm>> -> memref<1x128x32xf32, #tpu.memory_space<hbm>>
      %dma_wait3A_281 = tpu.memref_squeeze %dma_wait3A_280 : memref<1x128x32xf32, #tpu.memory_space<hbm>> -> memref<128x32xf32, #tpu.memory_space<hbm>>
      tpu.wait_dma2 semaphore(%run_scoped3A : memref<!tpu.dma_semaphore, #tpu.memory_space<semaphore_mem>>) src(%arg8 : memref<128x32xf32, #tpu.memory_space<vmem>>) dst(%dma_wait3A_281 : memref<128x32xf32, #tpu.memory_space<hbm>>)
      tpu.yield
    }) : () -> ()
    %mul3A_262 = arith.constant 2 : i32
    %mul3A_263 = arith.muli %mul3A_262, %add3A : i32
    %add3A_264 = arith.constant 1 : i32
    %add3A_265 = arith.addi %mul3A_263, %add3A_264 : i32
    "tpu.region"() ({
      %run_scoped3A = tpu.sem_alloc : memref<!tpu.dma_semaphore, #tpu.memory_space<semaphore_mem>>
      %dma_start3A_266 = arith.constant 0 : i32
      %dma_start3A_267 = arith.constant 0 : i32
      %dma_start3A_268 = tpu.memref_slice %arg4[%add3A_265, %dma_start3A_266, %dma_start3A_267] : memref<64x128x32xf32, #tpu.memory_space<hbm>> -> memref<1x128x32xf32, #tpu.memory_space<hbm>>
      %dma_start3A_269 = tpu.memref_squeeze %dma_start3A_268 : memref<1x128x32xf32, #tpu.memory_space<hbm>> -> memref<128x32xf32, #tpu.memory_space<hbm>>
      %dma_start3A_270 = arith.constant 0 : i32
      %dma_start3A_271 = arith.constant 0 : i32
      %dma_start3A_272 = tpu.memref_slice %arg4[%add3A_265, %dma_start3A_270, %dma_start3A_271] : memref<64x128x32xf32, #tpu.memory_space<hbm>> -> memref<1x128x32xf32, #tpu.memory_space<hbm>>
      %dma_start3A_273 = tpu.memref_squeeze %dma_start3A_272 : memref<1x128x32xf32, #tpu.memory_space<hbm>> -> memref<128x32xf32, #tpu.memory_space<hbm>>
      tpu.enqueue_dma source(%arg9 : memref<128x32xf32, #tpu.memory_space<vmem>>) target(%dma_start3A_273 : memref<128x32xf32, #tpu.memory_space<hbm>>) target_semaphore(%run_scoped3A : memref<!tpu.dma_semaphore, #tpu.memory_space<semaphore_mem>>)
      %dma_wait3A_274 = arith.constant 0 : i32
      %dma_wait3A_275 = arith.constant 0 : i32
      %dma_wait3A_276 = tpu.memref_slice %arg4[%add3A_265, %dma_wait3A_274, %dma_wait3A_275] : memref<64x128x32xf32, #tpu.memory_space<hbm>> -> memref<1x128x32xf32, #tpu.memory_space<hbm>>
      %dma_wait3A_277 = tpu.memref_squeeze %dma_wait3A_276 : memref<1x128x32xf32, #tpu.memory_space<hbm>> -> memref<128x32xf32, #tpu.memory_space<hbm>>
      %dma_wait3A_278 = arith.constant 0 : i32
      %dma_wait3A_279 = arith.constant 0 : i32
      %dma_wait3A_280 = tpu.memref_slice %arg4[%add3A_265, %dma_wait3A_278, %dma_wait3A_279] : memref<64x128x32xf32, #tpu.memory_space<hbm>> -> memref<1x128x32xf32, #tpu.memory_space<hbm>>
      %dma_wait3A_281 = tpu.memref_squeeze %dma_wait3A_280 : memref<1x128x32xf32, #tpu.memory_space<hbm>> -> memref<128x32xf32, #tpu.memory_space<hbm>>
      tpu.wait_dma2 semaphore(%run_scoped3A : memref<!tpu.dma_semaphore, #tpu.memory_space<semaphore_mem>>) src(%arg9 : memref<128x32xf32, #tpu.memory_space<vmem>>) dst(%dma_wait3A_281 : memref<128x32xf32, #tpu.memory_space<hbm>>)
      tpu.yield
    }) : () -> ()
    return
  }
}

</mosaic_0001>

<sc_bundles>
// kernel: _sc_call.3.cloned.1.call-start
scs
__scs_entry_jumppad:
0x0: {  	(pc) =	sbr.rel $0x88, $3  }
0x1: {  	(tag) =	ssettag $0x0;
	lr =	simm.s32 $0x1  }
0x2: {  	[smem:$0x3F9F] =	sst lr;
	_ =	strace $0xD0000000  }
0x3: {  	_ = 	snop  }
0x4: {  	_ = 	snop  }
0x5: {  	_ = 	snop  }
0x6: {  	_ = 	snop  }
0x7: {  	_ = 	snop  }
__scs_overlays_trampoline_lowered:
0x8: {  	[smem:$0x3FAE] =	sst s0  }
0x9: {  	[smem:$0x3FAF] =	sst s1  }
0xa: {  	[smem:$0x3FB0] =	sst s2  }
0xb: {  	[smem:$0x3FB1] =	sst s3  }
0xc: {  	[smem:$0x3FB2] =	sst s4  }
0xd: {  	[smem:$0x3FB3] =	sst s5  }
0xe: {  	[smem:$0x3FB4] =	sst s6  }
0xf: {  	[smem:$0x3FB5] =	sst s7  }
0x10: {  	[smem:$0x3FB6] =	sst s8  }
0x11: {  	[smem:$0x3FB7] =	sst s9;
	s0 =	simm.s32 @!p0 $0x0  }
0x12: {  	s1 =	sld [smem:$0x3F9D];
	s0 =	simm.s32 @p0 $0x1  }
0x13: {  	[smem:$0x3FB8] =	sst s0;
	s0 =	simm.s32 @!p1 $0x0  }
0x14: {  	s2 =	sld [smem:$0x3F9C];
	s0 =	simm.s32 @p1 $0x1  }
0x15: {  	[smem:$0x3FB9] =	sst s0;
	s0 =	simm.s32 @!p2 $0x0  }
0x16: {  	s3 =	sld [smem:$0x3FDB];
	s0 =	simm.s32 @p2 $0x1  }
0x17: {  	s4 =	simm.s32 $0x1BF5;
	[smem:$0x3FBB] =	sst s0  }
0x18: {  	s0 =	sld [smem:$0x3F9E];
	_ =	swait.ge [sflag:s4], $0x0  }
0x19: {  	s7 =	sld [smem:$0x3F9F]  }
0x1a: {  	s8 =	sadd.s32 $0xFFFFE003, lr  }
0x1b: {  	s9 =	sadd.s32 $0xFFFFFEF7, lr;
	s5 =	simm.s32 $0xFFFFFFFF;
	p2 =	slt.u32 s8, $0xFFFFF086  }
0x1c: {  	p1 =	slt.u32 s9, $0xF7A;
	s5 =	simm.s32 @!p2 $0x0  }
0x1d: {  	s5 =	simm.s32 @p1 $0x1;
	p0 =	seq.s32 s7, s2  }
0x1e: {  	s7 =	smul.u32 @!p0 $0xF7A, s2;
	p2 =	seq.s32 @!p0 s5, $0x0  }
0x1f: {  	s9 =	smul.u32 $0xF7A, s1;
	s8 =	simm.s32 @!p0 $0x1BF5;
	p2 =	por !p2, p0  }
0x20: {  	[sflag:s8] =	ssyncset.s32 @!p0 $0xFFFFF086;
	s6 =	sadd.s32 @!p0 s3, s7;
	s7 =	simm.s32 @!p0 $0x108  }
0x21: {  	s3 =	sadd.s32 s3, s9;
	s6 =	sadd.s32 @!p0 $0x88, s6;
	s7 =	simm.s32 @p2 $0x1082  }
0x22: {  	[simem:s7], [sflag:s8] =	dma.local @!p0 [hbm:s6], $0xF7A  }
0x23: {  	s9 =	sor.u32 $0xD0000000, s2;
	s6 =	simm.s32 $0x108;
	_ =	swait.ge @!p0 [sflag:s8], $0x0  }
0x24: {  	s3 =	sadd.s32 $0x88, s3;
	s6 =	simm.s32 @!p1 $0x1082;
	[sflag:s4] =	ssyncset.s32 $0xFFFFF086  }
0x25: {  	[simem:s6], [sflag:s4] =	dma.local [hbm:s3], $0xF7A  }
0x26: {  	[smem:$0x3F9F] =	sst s1;
	(tag) =	ssettag s2;
	_ =	strace s9  }
0x27: {  	s1 =	sld [smem:$0x3FAF]  }
0x28: {  	s2 =	sld [smem:$0x3FB0]  }
0x29: {  	s4 =	sld [smem:$0x3FB2]  }
0x2a: {  	p0 =	seq.s32 s5, $0x0;
	s5 =	sld [smem:$0x3FB3]  }
0x2b: {  	s6 =	sld [smem:$0x3FB4]  }
0x2c: {  	s7 =	sld [smem:$0x3FB5]  }
0x2d: {  	s3 =	simm.s32 $0x108;
	s8 =	sld [smem:$0x3FB6]  }
0x2e: {  	s3 =	simm.s32 @!p0 $0x1082;
	s9 =	sld [smem:$0x3FB7]  }
0x2f: {  	lr =	sadd.s32 s0, s3;
	s0 =	sld [smem:$0x3FAE]  }
0x30: {  	s3 =	sld [smem:$0x3FB1]  }
0x31: {  	[smem:$0x3FBA] =	sst s10  }
0x32: {  	s10 =	sld [smem:$0x3FB8];
	_ =	sdelay $0x3  }
0x33: {  	p0 =	seq.s32 s10, $0x1;
	s10 =	sld [smem:$0x3FBA];
	_ =	sdelay $0x3  }
0x34: {  	[smem:$0x3FBA] =	sst s10  }
0x35: {  	s10 =	sld [smem:$0x3FB9];
	_ =	sdelay $0x3  }
0x36: {  	p1 =	seq.s32 s10, $0x1;
	s10 =	sld [smem:$0x3FBA];
	_ =	sdelay $0x3  }
0x37: {  	[smem:$0x3FBA] =	sst s10  }
0x38: {  	s10 =	sld [smem:$0x3FBB]  }
0x39: {  	_ = 	snop;
	(pc) =	sbr.ind lr, $3  }
0x3a: {  	_ = 	snop  }
0x3b: {  	_ = 	snop  }
0x3c: {  	p2 =	seq.s32 s10, $0x1;
	s10 =	sld [smem:$0x3FBA]  }
0x3d: {  	_ =	shalt  }
0x3e: {  	_ =	shalt  }
0x3f: {  	_ =	shalt  }
0x40: {  	_ =	shalt  }
0x41: {  	_ =	shalt  }
0x42: {  	_ =	shalt  }
0x43: {  	_ =	shalt  }
0x44: {  	_ =	shalt  }
0x45: {  	_ =	shalt  }
0x46: {  	_ =	shalt  }
0x47: {  	_ =	shalt  }
0x48: {  	_ =	shalt  }
0x49: {  	_ =	shalt  }
0x4a: {  	_ =	shalt  }
0x4b: {  	_ =	shalt  }
0x4c: {  	_ =	shalt  }
0x4d: {  	_ =	shalt  }
0x4e: {  	_ =	shalt  }
0x4f: {  	_ =	shalt  }
0x50: {  	_ =	shalt  }
0x51: {  	_ =	shalt  }
0x52: {  	_ =	shalt  }
0x53: {  	_ =	shalt  }
0x54: {  	_ =	shalt  }
0x55: {  	_ =	shalt  }
0x56: {  	_ =	shalt  }
0x57: {  	_ =	shalt  }
0x58: {  	_ =	shalt  }
0x59: {  	_ =	shalt  }
0x5a: {  	_ =	shalt  }
0x5b: {  	_ =	shalt  }
0x5c: {  	_ =	shalt  }
0x5d: {  	_ =	shalt  }
0x5e: {  	_ =	shalt  }
0x5f: {  	_ =	shalt  }
0x60: {  	_ =	shalt  }
0x61: {  	_ =	shalt  }
0x62: {  	_ =	shalt  }
0x63: {  	_ =	shalt  }
0x64: {  	_ =	shalt  }
0x65: {  	_ =	shalt  }
0x66: {  	_ =	shalt  }
0x67: {  	_ =	shalt  }
0x68: {  	_ =	shalt  }
0x69: {  	_ =	shalt  }
0x6a: {  	_ =	shalt  }
0x6b: {  	_ =	shalt  }
0x6c: {  	_ =	shalt  }
0x6d: {  	_ =	shalt  }
0x6e: {  	_ =	shalt  }
0x6f: {  	_ =	shalt  }
0x70: {  	_ =	shalt  }
0x71: {  	_ =	shalt  }
0x72: {  	_ =	shalt  }
0x73: {  	_ =	shalt  }
0x74: {  	_ =	shalt  }
0x75: {  	_ =	shalt  }
0x76: {  	_ =	shalt  }
0x77: {  	_ =	shalt  }
0x78: {  	_ =	shalt  }
0x79: {  	_ =	shalt  }
0x7a: {  	_ =	shalt  }
0x7b: {  	_ =	shalt  }
0x7c: {  	_ =	shalt  }
0x7d: {  	_ =	shalt  }
0x7e: {  	_ =	shalt  }
0x7f: {  	_ =	shalt  }
0x80: {  	_ =	shalt  }
0x81: {  	_ =	shalt  }
0x82: {  	_ =	shalt  }
0x83: {  	_ =	shalt  }
0x84: {  	_ =	shalt  }
0x85: {  	_ =	shalt  }
0x86: {  	_ =	shalt  }
0x87: {  	_ =	shalt  }
.Lfunc_end0:
.L_simem_size_0:
called_computation_lowered:
.L_overlay_start_0:
0x88: {  	s2 =	sld [smem:$0x3FD9]  }
0x89: {  	s3 =	sld [smem:$0x3FFE];
	_ =	sdelay $0x1  }
0x8a: {  	s1 =	srdreg.scid  }
0x8b: {  	s0 =	sand.u32 $0x1, s1  }
0x8c: {  	s14 =	sshll.u32 s0, $0xA;
	s2 =	sadd.s32 s3, s2  }
0x8d: {  	s2 =	sadd.s32 s2, s14  }
0x8e: {  	[smem:$0x3FC6] =	sst s2  }
0x8f: {  	_ = 	snop  }
0x90: {  	s2 =	sld [smem:$0x3FD0];
	_ =	sdelay $0x2  }
0x91: {  	s4 =	simm.s32 $0xA;
	s5 =	simm.s32 $0x10;
	s15 =	sld [smem:$0x3FC8]  }
0x92: {  	[smem:s5], [sflag:s4] =	dma.local [hbm:s2], $0x1  }
0x93: {  	_ =	swait.eq [sflag:s4], $0x1  }
0x94: {  	[sflag:s4] =	ssyncset.done $0x0  }
0x95: {  	[sflag:s4] =	ssyncadd.s32 $0xFFFFFFFF  }
0x96: {  	s16 =	sld [smem:$0x10];
	(tm) =	ssettm $0x1  }
0x97: {  	s17 =	sld [smem:$0x3FFB];
	_ =	sdelay $0x3  }
0x98: {  	_ =	strace s17  }
0x99: {  	s4 =	sld [smem:$0x3FFC];
	_ =	sdelay $0x3  }
0x9a: {  	_ =	strace s4  }
0x9b: {  	s4 =	sld [smem:$0x3FFD];
	_ =	sdelay $0x3  }
0x9c: {  	_ =	strace s4  }
0x9d: {  	_ =	strace $0x8FFFFFFF  }
0x9e: {  	s18 =	sld [smem:$0x3FDB];
	_ =	sdelay $0x1  }
0x9f: {  	s19 =	simm.s32 $_scs_section_size  }
0xa0: {  	s6 =	simm.s32 $_size__tile_overlayer_lowered;
	s7 =	simm.s32 $_tile_overlayer_lowered  }
0xa1: {  	s22 =	simm.s32 $0x1BFF;
	s21 =	sshll.u32 s7, $0x1;
	s4 =	sadd.s32 s19, s18  }
0xa2: {  	s8 =	simm.s32 $0x0;
	s20 =	sshll.u32 s6, $0x1;
	s6 =	sadd.s32 s21, s4  }
0xa3: {  	[timem:s8], [sflag:s22] =	dma.local [hbm:s6], s20  }
0xa4: {  	_ =	swait.ge [sflag:s22], s20  }
0xa5: {  	s5 =	ssub.s32 $0x0, s20;
	[sflag:s22] =	ssyncset.done $0x0  }
0xa6: {  	[sflag:s22] =	ssyncadd.s32 s5;
	_ =	sdelay $0x1  }
0xa7: {  	s23 =	simm.s32 $0x1B8B  }
0xa8: {  	_ =	swait.ge [sflag:s23], $0x1  }
0xa9: {  	[sflag:s23] =	ssyncset.done $0x0  }
0xaa: {  	s25 =	simm.s32 $0x1B8E;
	s24 =	sld [smem:$0x3FFE];
	[sflag:s23] =	ssyncadd.s32 $0xFFFFFFFF  }
0xab: {  	s26 =	simm.s32 $execute0_lowered;
	[smem:$0x3FD2] =	sst s25  }
0xac: {  	s6 =	sshll.u32 s26, $0x1;
	_ =	strace $0x80000046;
	[dreg:$0x1] =	wrdreg $0xFFFFFFFF  }
0xad: {  	s28 =	simm.s32 $_size_execute0_lowered;
	s4 =	sadd.s32 s4, s6;
	[dreg:$0x0] =	wrdreg $0x0  }
0xae: {  	s6 =	sshll.u32 s28, $0x1;
	[dreg:$0x2] =	wrdreg s4  }
0xaf: {  	[dreg:$0x3] =	wrdreg s6  }
0xb0: {  	[dreg:$0x4] =	wrdreg $0xC0  }
0xb1: {  	_ =	task [dreg:s8], $0x5FFFF  }
0xb2: {  	[dreg:$0x1] =	wrdreg $0xFFFFFFFF  }
0xb3: {  	[dreg:$0x0] =	wrdreg $0x60  }
0xb4: {  	[dreg:$0x2] =	wrdreg s16  }
0xb5: {  	[dreg:$0x3] =	wrdreg s15  }
0xb6: {  	[dreg:$0x4] =	wrdreg s24  }
0xb7: {  	[dreg:$0x5] =	wrdreg $0x23800  }
0xb8: {  	[dreg:$0x6] =	wrdreg $0x9  }
0xb9: {  	_ =	task.clear_ibuf [dreg:s8], $0x7FFFF;
	_ =	strace $0x90000046  }
0xba: {  	s29 =	simm.s32 $0x9;
	_ =	strace $0x80000048  }
0xbb: {  	_ =	swait.ge [sflag:s29], $0x1  }
0xbc: {  	[sflag:s29] =	ssyncadd.s32 $0xFFFFFFFF  }
0xbd: {  	_ =	strace $0x90000048  }
0xbe: {  	_ =	sfence  }
0xbf: {  	s30 =	sld [smem:$0x0];
	_ =	sdelay $0x2  }
0xc0: {  	s31 =	sshll.u32 s1, $0xD;
	s1 =	sshrl.u32 s1, $0x2  }
0xc1: {  	s3 =	sand.u32 $0x4000, s31;
	s1 =	sadd.s32 s1, s30  }
0xc2: {  	s0 =	sor.u32 s3, s0;
	s1 =	sshll.u32 s1, $0x11  }
0xc3: {  	s0 =	sor.u32 s1, s0  }
0xc4: {  	s0 =	sadd.s32 $0x8F2B, s0  }
0xc5: {  	[sflag:s0] =	ssyncadd.remote.s32 $0x1  }
0xc6: {  	_ =	sfence.sel $0xFFFF  }
0xc7: {  	[dreg:$0x0] =	wrdreg $0xFFFFFFFF;
	(pc) =	sbr.abs _section_cstart, $3  }
0xc8: {  	[dreg:$0x1] =	wrdreg $0xFFFFFFFF  }
0xc9: {  	_ =	task.clear_ibuf [dreg:s8], $0x2FFFF;
	_ =	strace $0x9FFFFFFF  }
0xca: {  	(tm) =	ssettm $0x7FFFFFFF  }
0xcb: {  	_ =	shalt  }
tec
execute0_lowered:
.L_overlay_start_1:
0x0: {  	(tag) =	ssettag $0x1  }
0x1: {  	s7 =	rddreg [dreg:$0x0]  }
0x2: {  	s5 =	rddreg [dreg:$0x1];
	s1 =	srdreg.scid  }
0x3: {  	s11 =	rddreg [dreg:$0x2];
	s0 =	stileid.u32;
	s12 =	sand.u32 $0x1, s1  }
0x4: {  	s4 =	rddreg [dreg:$0x3];
	s3 =	sshll.u32 s0, $0x2;
	s6 =	sshll.u32 s12, $0x1  }
0x5: {  	s2 =	simm.s32 $0x0;
	s1 =	rddreg [dreg:$0x4];
	s13 =	sor.u32 s6, s3  }
0x6: {  	[smem:$0x7FF] =	sst s2;
	s3 =	sshll.u32 s13, $0x4  }
0x7: {  	_ =	strace $0x80000047;
	s9 =	sadd.s32 s5, s3;
	s3 =	simm.s32 $0x2  }
0x8: {  	[tilespmem:s2], [sflag:$0x2] =	stream.linear.gather [hbm4b:s9+s2], $0x80, $0x38;
	[tilespmem:$0x2580] =	vst v63  }
0x9: {  	s14 =	sor.u32 $0x1, s13;
	_ =	swait.ge [sflag:s3], $0x80  }
0xa: {  	s29 =	sshll.u32 s14, $0x4;
	[sflag:s3] =	ssyncset.done $0x0  }
0xb: {  	s8 =	simm.s32 $0x80;
	s10 =	sadd.s32 s5, s29;
	[sflag:s3] =	ssyncadd.s32 $0xFFFFFF80  }
0xc: {  	[tilespmem:s8], [sflag:$0x2] =	stream.linear.gather [hbm4b:s10+s2], $0x80, $0x38;
	[tilespmem:$0x2580] =	vst v63  }
0xd: {  	_ =	swait.ge [sflag:s3], $0x80  }
0xe: {  	[sflag:s3] =	ssyncset.done $0x0  }
0xf: {  	s6 =	simm.s32 $0x100;
	[sflag:s3] =	ssyncadd.s32 $0xFFFFFF80  }
0x10: {  	[tilespmem:s6], [sflag:$0x1] =	stream.indirect.gather [hbm4b:s7+s8], $0x20, s2, s8, $0xb8;
	[tilespmem:$0x2580] =	vst v63  }
0x11: {  	s5 =	simm.s32 $0x1100  }
0x12: {  	v0 =	vimm.f32 $0.0e+00;
	[tilespmem:s5], [sflag:$0x1] =	stream.indirect.gather [hbm4b:s7+s8], $0x20, s8, s8, $0xb8;
	[tilespmem:$0x2580] =	vst v63  }
0x13: {  	[tilespmem:$0x2370] =	vst v0  }
0x14: {  	[tilespmem:$0x2360] =	vst v0  }
0x15: {  	[tilespmem:$0x2350] =	vst v0  }
0x16: {  	[tilespmem:$0x2340] =	vst v0  }
0x17: {  	[tilespmem:$0x2330] =	vst v0  }
0x18: {  	[tilespmem:$0x2320] =	vst v0  }
0x19: {  	[tilespmem:$0x2310] =	vst v0  }
0x1a: {  	[tilespmem:$0x2300] =	vst v0  }
0x1b: {  	[tilespmem:$0x22F0] =	vst v0  }
0x1c: {  	[tilespmem:$0x22E0] =	vst v0  }
0x1d: {  	[tilespmem:$0x22D0] =	vst v0  }
0x1e: {  	[tilespmem:$0x22C0] =	vst v0  }
0x1f: {  	[tilespmem:$0x22B0] =	vst v0  }
0x20: {  	[tilespmem:$0x22A0] =	vst v0  }
0x21: {  	[tilespmem:$0x2290] =	vst v0  }
0x22: {  	[tilespmem:$0x2280] =	vst v0  }
0x23: {  	[tilespmem:$0x2270] =	vst v0  }
0x24: {  	[tilespmem:$0x2260] =	vst v0  }
0x25: {  	[tilespmem:$0x2250] =	vst v0  }
0x26: {  	[tilespmem:$0x2240] =	vst v0  }
0x27: {  	[tilespmem:$0x2230] =	vst v0  }
0x28: {  	[tilespmem:$0x2220] =	vst v0  }
0x29: {  	s16 =	sshll.u32 s12, $0xD;
	s12 =	ssub.s32 $0x2, s12;
	[tilespmem:$0x2210] =	vst v0  }
0x2a: {  	s17 =	sshrl.u32 s12, $0x1;
	[tilespmem:$0x2200] =	vst v0  }
0x2b: {  	s17 =	ssub.s32 s12, s17;
	[tilespmem:$0x21F0] =	vst v0  }
0x2c: {  	s19 =	simm.s32 $0x2180;
	s15 =	sshll.u32 s0, $0x9;
	s20 =	smax.u32 s17, $0x1;
	[tilespmem:$0x21E0] =	vst v0  }
0x2d: {  	s18 =	sadd.s32 $0x1000, s11;
	s16 =	sor.u32 s15, s16;
	p0 =	sne.s32 s20, $0x1;
	[tilespmem:$0x21D0] =	vst v0  }
.Ltmp0:
0x2e: {  	s31 =	sshll.u32 s0, $0x6;
	s16 =	sshrl.u32 s16, $0x3;
	[tilespmem:$0x21C0] =	vst v0;
	(pc) =	sbr.rel @!p0 .LBB2_2-.Ltmp0, $4  }
0x2f: {  	s30 =	sshll.u32 s13, $0x9;
	s11 =	sadd.s32 s16, s11;
	s16 =	sadd.s32 s15, s4;
	[tilespmem:$0x21B0] =	vst v0  }
0x30: {  	s14 =	sshll.u32 s14, $0x9;
	s12 =	sadd.s32 s18, s30;
	s17 =	simm.s32 $0x2100;
	[tilespmem:$0x21A0] =	vst v0  }
0x31: {  	s15 =	sor.u32 $0x1C02, s31;
	s13 =	sadd.s32 $0x800, s11;
	s11 =	sadd.s32 s18, s14;
	[tilespmem:$0x2190] =	vst v0  }
0x32: {  	v1 =	vimm.f32 $1.000000000e+00;
	s18 =	sshrl.u32 s16, $0x3;
	s14 =	simm.s32 $0x1;
	s20 =	sadd.s32 $0xFFFFFFFF, s20;
	[tilespmem:$0x2180] =	vst v0  }
.LBB2_1:
0x33: {  	p0 =	sne.s32 s20, $0x1;
	s20 =	sadd.s32 $0xFFFFFFFF, s20;
	[tilespmem:$0x2170] =	vst v1  }
0x34: {  	[tilespmem:$0x2160] =	vst v1  }
0x35: {  	[tilespmem:$0x2150] =	vst v1  }
0x36: {  	[tilespmem:$0x2140] =	vst v1  }
0x37: {  	[tilespmem:$0x2130] =	vst v1  }
0x38: {  	[tilespmem:$0x2120] =	vst v1  }
0x39: {  	[tilespmem:$0x2100] =	vst v1  }
0x3a: {  	[tilespmem:$0x2110] =	vst v1  }
0x3b: {  	[spmem:s16] =	stream.linear.scatter [tilespmem:s19], [sflag:$0x2], $0x200, $0x38;
	[tilespmem:$0x2580] =	vst v63  }
0x3c: {  	_ =	swait.ge [sflag:s3], $0x200  }
0x3d: {  	[sflag:s3] =	ssyncset.done $0x0  }
0x3e: {  	[sflag:s3] =	ssyncadd.s32 $0xFFFFFE00  }
0x3f: {  	[bflag:$0x0] =	sbarrier.arrive $0xFFFF  }
0x40: {  	[spmem:s4] =	stream.indirect.scatter.add.f32 [tilespmem:s17], [sflag:$0x2], $0x1, s2, s8, $0xb8;
	[tilespmem:$0x2580] =	vst v63  }
0x41: {  	_ =	swait.ge [sflag:s3], $0x80  }
0x42: {  	[sflag:s3] =	ssyncset.done $0x0  }
0x43: {  	[sflag:s3] =	ssyncadd.s32 $0xFFFFFF80  }
0x44: {  	[spmem:s4] =	stream.indirect.scatter.add.f32 [tilespmem:s17], [sflag:$0x2], $0x1, s8, s8, $0xb8;
	[tilespmem:$0x2580] =	vst v63  }
0x45: {  	_ =	swait.ge [sflag:s3], $0x80  }
0x46: {  	[sflag:s3] =	ssyncset.done $0x0  }
0x47: {  	[sflag:s3] =	ssyncadd.s32 $0xFFFFFF80  }
0x48: {  	[bflag:$0x0] =	sbarrier.arrive $0xFFFF  }
0x49: {  	[hbm:s13], [sflag:s15] =	dma.local [spmem:s18], $0x40  }
0x4a: {  	_ =	swait.ge [sflag:s3], $0x40  }
0x4b: {  	[sflag:s3] =	ssyncset.done $0x0  }
0x4c: {  	[sflag:s3] =	ssyncadd.s32 $0xFFFFFFC0  }
0x4d: {  	_ =	swait.ge [sflag:s14], $0x1000  }
0x4e: {  	[sflag:s14] =	ssyncset.done $0x0  }
0x4f: {  	[sflag:s14] =	ssyncadd.s32 $0xFFFFF000  }
0x50: {  	_ =	swait.ge [sflag:s14], $0x1000  }
0x51: {  	[sflag:s14] =	ssyncset.done $0x0  }
0x52: {  	[sflag:s14] =	ssyncadd.s32 $0xFFFFF000  }
0x53: {  	[hbm4b:s12+s2] =	stream.linear.scatter [tilespmem:s6], [sflag:$0x2], $0x1000, $0x38;
	[tilespmem:$0x2580] =	vst v63  }
0x54: {  	_ =	swait.ge [sflag:s3], $0x1000  }
0x55: {  	[sflag:s3] =	ssyncset.done $0x0  }
0x56: {  	[sflag:s3] =	ssyncadd.s32 $0xFFFFF000  }
0x57: {  	[hbm4b:s11+s2] =	stream.linear.scatter [tilespmem:s5], [sflag:$0x2], $0x1000, $0x38;
	[tilespmem:$0x2580] =	vst v63  }
0x58: {  	_ =	swait.ge [sflag:s3], $0x1000  }
0x59: {  	[sflag:s3] =	ssyncset.done $0x0  }
0x5a: {  	[sflag:s3] =	ssyncadd.s32 $0xFFFFF000  }
0x5b: {  	[tilespmem:s2], [sflag:$0x2] =	stream.linear.gather [hbm4b:s9+s2], $0x80, $0x38;
	[tilespmem:$0x2580] =	vst v63  }
0x5c: {  	_ =	swait.ge [sflag:s3], $0x80  }
0x5d: {  	[sflag:s3] =	ssyncset.done $0x0  }
0x5e: {  	[sflag:s3] =	ssyncadd.s32 $0xFFFFFF80  }
0x5f: {  	[tilespmem:s8], [sflag:$0x2] =	stream.linear.gather [hbm4b:s10+s2], $0x80, $0x38;
	[tilespmem:$0x2580] =	vst v63  }
0x60: {  	_ =	swait.ge [sflag:s3], $0x80  }
0x61: {  	[sflag:s3] =	ssyncset.done $0x0  }
0x62: {  	[sflag:s3] =	ssyncadd.s32 $0xFFFFFF80  }
0x63: {  	[tilespmem:s6], [sflag:$0x1] =	stream.indirect.gather [hbm4b:s7+s8], $0x20, s2, s8, $0xb8;
	[tilespmem:$0x2580] =	vst v63  }
0x64: {  	_ = 	snop  }
0x65: {  	[tilespmem:s5], [sflag:$0x1] =	stream.indirect.gather [hbm4b:s7+s8], $0x20, s8, s8, $0xb8;
	[tilespmem:$0x2580] =	vst v63  }
0x66: {  	[tilespmem:$0x2370] =	vst v0  }
0x67: {  	[tilespmem:$0x2360] =	vst v0  }
0x68: {  	[tilespmem:$0x2350] =	vst v0  }
0x69: {  	[tilespmem:$0x2340] =	vst v0  }
0x6a: {  	[tilespmem:$0x2330] =	vst v0  }
0x6b: {  	[tilespmem:$0x2320] =	vst v0  }
0x6c: {  	[tilespmem:$0x2310] =	vst v0  }
0x6d: {  	[tilespmem:$0x2300] =	vst v0  }
0x6e: {  	[tilespmem:$0x22F0] =	vst v0  }
0x6f: {  	[tilespmem:$0x22E0] =	vst v0  }
0x70: {  	[tilespmem:$0x22D0] =	vst v0  }
0x71: {  	[tilespmem:$0x22C0] =	vst v0  }
0x72: {  	[tilespmem:$0x22B0] =	vst v0  }
0x73: {  	[tilespmem:$0x22A0] =	vst v0  }
0x74: {  	[tilespmem:$0x2290] =	vst v0  }
0x75: {  	[tilespmem:$0x2280] =	vst v0  }
0x76: {  	[tilespmem:$0x2270] =	vst v0  }
0x77: {  	[tilespmem:$0x2260] =	vst v0  }
0x78: {  	[tilespmem:$0x2250] =	vst v0  }
0x79: {  	[tilespmem:$0x2240] =	vst v0  }
0x7a: {  	[tilespmem:$0x2230] =	vst v0  }
0x7b: {  	[tilespmem:$0x2220] =	vst v0  }
0x7c: {  	[tilespmem:$0x2210] =	vst v0  }
0x7d: {  	[tilespmem:$0x2200] =	vst v0  }
0x7e: {  	[tilespmem:$0x21F0] =	vst v0  }
0x7f: {  	[tilespmem:$0x21E0] =	vst v0  }
0x80: {  	[tilespmem:$0x21D0] =	vst v0  }
.Ltmp1:
0x81: {  	[tilespmem:$0x21C0] =	vst v0;
	(pc) =	sbr.rel @p0 .LBB2_1-.Ltmp1, $4  }
0x82: {  	[tilespmem:$0x21B0] =	vst v0  }
0x83: {  	[tilespmem:$0x21A0] =	vst v0  }
0x84: {  	[tilespmem:$0x2190] =	vst v0  }
0x85: {  	[tilespmem:$0x2180] =	vst v0  }
.LBB2_2:
0x86: {  	[tilespmem:$0x2170] =	vst v1  }
0x87: {  	[tilespmem:$0x2160] =	vst v1  }
0x88: {  	[tilespmem:$0x2150] =	vst v1  }
0x89: {  	[tilespmem:$0x2140] =	vst v1  }
0x8a: {  	[tilespmem:$0x2130] =	vst v1  }
0x8b: {  	[tilespmem:$0x2120] =	vst v1  }
0x8c: {  	[tilespmem:$0x2100] =	vst v1  }
0x8d: {  	[tilespmem:$0x2110] =	vst v1  }
0x8e: {  	[spmem:s16] =	stream.linear.scatter [tilespmem:s19], [sflag:$0x2], $0x200, $0x38;
	[tilespmem:$0x2580] =	vst v63  }
0x8f: {  	_ =	swait.ge [sflag:s3], $0x200  }
0x90: {  	[sflag:s3] =	ssyncset.done $0x0  }
0x91: {  	[sflag:s3] =	ssyncadd.s32 $0xFFFFFE00  }
0x92: {  	[bflag:$0x0] =	sbarrier.arrive $0xFFFF  }
0x93: {  	[spmem:s4] =	stream.indirect.scatter.add.f32 [tilespmem:s17], [sflag:$0x2], $0x1, s2, s8, $0xb8;
	[tilespmem:$0x2580] =	vst v63  }
0x94: {  	_ =	swait.ge [sflag:s3], $0x80  }
0x95: {  	[sflag:s3] =	ssyncset.done $0x0  }
0x96: {  	[sflag:s3] =	ssyncadd.s32 $0xFFFFFF80  }
0x97: {  	[spmem:s4] =	stream.indirect.scatter.add.f32 [tilespmem:s17], [sflag:$0x2], $0x1, s8, s8, $0xb8;
	[tilespmem:$0x2580] =	vst v63  }
0x98: {  	_ =	swait.ge [sflag:s3], $0x80  }
0x99: {  	[sflag:s3] =	ssyncset.done $0x0  }
0x9a: {  	[sflag:s3] =	ssyncadd.s32 $0xFFFFFF80  }
0x9b: {  	[bflag:$0x0] =	sbarrier.arrive $0xFFFF  }
0x9c: {  	[hbm:s13], [sflag:s15] =	dma.local [spmem:s18], $0x40  }
0x9d: {  	_ =	swait.ge [sflag:s3], $0x40  }
0x9e: {  	[sflag:s3] =	ssyncset.done $0x0  }
0x9f: {  	[sflag:s3] =	ssyncadd.s32 $0xFFFFFFC0  }
0xa0: {  	_ =	swait.ge [sflag:s14], $0x1000  }
0xa1: {  	[sflag:s14] =	ssyncset.done $0x0  }
0xa2: {  	[sflag:s14] =	ssyncadd.s32 $0xFFFFF000  }
0xa3: {  	_ =	swait.ge [sflag:s14], $0x1000  }
0xa4: {  	[sflag:s14] =	ssyncset.done $0x0  }
0xa5: {  	[sflag:s14] =	ssyncadd.s32 $0xFFFFF000  }
0xa6: {  	[hbm4b:s12+s2] =	stream.linear.scatter [tilespmem:s6], [sflag:$0x2], $0x1000, $0x38;
	[tilespmem:$0x2580] =	vst v63  }
0xa7: {  	_ =	swait.ge [sflag:s3], $0x1000  }
0xa8: {  	[sflag:s3] =	ssyncset.done $0x0  }
0xa9: {  	[sflag:s3] =	ssyncadd.s32 $0xFFFFF000  }
0xaa: {  	[hbm4b:s11+s2] =	stream.linear.scatter [tilespmem:s5], [sflag:$0x2], $0x1000, $0x38;
	[tilespmem:$0x2580] =	vst v63  }
0xab: {  	_ =	swait.ge [sflag:s3], $0x1000  }
0xac: {  	[sflag:s3] =	ssyncset.done $0x0  }
0xad: {  	[sflag:s3] =	ssyncadd.s32 $0xFFFFF000  }
0xae: {  	_ =	sfence.sel $0x180000  }
0xaf: {  	[bflag:$0x0] =	sbarrier.arrive $0xFFFF  }
0xb0: {  	p0 =	sne.s32 s0, $0x0;
	_ =	strace $0x90000047  }
0xb1: {  	s0 =	sadd.s32 @!p0 $0x100000, s1;
	[bflag:$0x2] =	sbarrier.arrive $0xFFFF  }
0xb2: {  	[sflag:s0] =	ssyncadd.tile.s32 @!p0 $0x1;
	_ =	shalt  }
.Lfunc_end2:
_tile_overlayer_lowered:
.L_overlay_start_2:
0xb3: {  	(tag) =	ssettag $0x2  }
0xb4: {  	s0 =	rddreg [dreg:$0x0];
	s2 =	stileid.u32  }
0xb5: {  	s1 =	rddreg [dreg:$0x1];
	p0 =	sne.s32 s2, $0x0  }
0xb6: {  	s3 =	rddreg [dreg:$0x2];
	[bflag:$0x3] =	sbarrier.arrive $0xFFFF;
	s2 =	simm.s32 @!p0 $0x1C02  }
0xb7: {  	[timem:s3], [sflag:s2] =	dma.local @!p0 [hbm:s0], s1  }
0xb8: {  	s0 =	simm.s32 @!p0 $0x2  }
0xb9: {  	_ =	swait.ge @!p0 [sflag:s0], s1  }
0xba: {  	s1 =	ssub.s32 @!p0 $0x0, s1;
	[sflag:s0] =	ssyncset.done @!p0 $0x0  }
0xbb: {  	[sflag:s0] =	ssyncadd.s32 @!p0 s1  }
0xbc: {  	[bflag:$0x3] =	sbarrier.arrive $0xFFFF  }
0xbd: {  	_ =	shalt  }

</sc_bundles>
